<compile_context>
chip_gen: v7x
topology: tpu7x:2x2x1
jax: 0.10.2.dev20260603
libtpu: 0.0.44.dev20260713+nightly
codegen_flags: <defaults>
</compile_context>

<pallas_src>
import functools

import jax
import jax.numpy as jnp
from jax import lax
from jax.experimental import pallas as pl
from jax.experimental.pallas import tpu as pltpu
from jax.experimental.pallas import tpu_sc as plsc

_LANES = 16
_NBUF = 4


def _emb_kernel(B, L, D):
    NC, NS = 2, 16
    NW = NC * NS
    seq_per_w = B // NW

    mesh = plsc.VectorSubcoreMesh(core_axis_name="c", subcore_axis_name="s")

    @functools.partial(
        pl.kernel,
        mesh=mesh,
        compiler_params=pltpu.CompilerParams(use_tc_tiling_on_sc=False, allow_input_fusion=[1]),
        out_type=jax.ShapeDtypeStruct((B, L, D), jnp.float32),
        scratch_types=(
            [
                pltpu.VMEM((seq_per_w, L), jnp.int32),
                pltpu.VMEM((L, D), jnp.float32),
            ]
            + [pltpu.VMEM((L, D), jnp.float32)] * _NBUF
            + [pltpu.SemaphoreType.DMA] * (2 * _NBUF)
        ),
    )
    def k(x_hbm, tok_hbm, pos_hbm, out_hbm, idx_v, pos_v, *bufs_and_sems):
        rows = bufs_and_sems[:_NBUF]
        gsems = bufs_and_sems[_NBUF:2 * _NBUF]
        ssems = bufs_and_sems[2 * _NBUF:]
        wid = lax.axis_index("s") * NC + lax.axis_index("c")
        seq0 = wid * seq_per_w
        pltpu.sync_copy(x_hbm.at[pl.ds(seq0, seq_per_w), :], idx_v)
        pltpu.sync_copy(pos_hbm.at[pl.ds(0, L), :], pos_v)

        for b in range(_NBUF - 1):
            pltpu.async_copy(tok_hbm.at[idx_v.at[b]], rows[b], gsems[b])

        def body(g, carry):
            for b in range(_NBUF):
                s = g * _NBUF + b
                buf = rows[b]
                pltpu.make_async_copy(
                    tok_hbm.at[idx_v.at[0]], buf, gsems[b]
                ).wait()

                @plsc.parallel_loop(0, L, unroll=8)
                def _add(r):
                    for c in range(D // _LANES):
                        sl = pl.ds(c * _LANES, _LANES)
                        buf[r, sl] = buf[r, sl] + pos_v[r, sl]

                pltpu.async_copy(buf, out_hbm.at[seq0 + s], ssems[b])

                nb = (b + _NBUF - 1) % _NBUF
                ns = s + _NBUF - 1

                @pl.when(ns < seq_per_w)
                def _issue():
                    @pl.when(s >= 1)
                    def _drain():
                        pltpu.make_async_copy(
                            rows[nb], out_hbm.at[seq0], ssems[nb]
                        ).wait()

                    pltpu.async_copy(
                        tok_hbm.at[idx_v.at[ns]], rows[nb], gsems[nb]
                    )

            return carry

        lax.fori_loop(0, seq_per_w // _NBUF, body, 0)

        for b in range(_NBUF):
            pltpu.make_async_copy(
                rows[b], out_hbm.at[seq0], ssems[b]
            ).wait()

    return k


def kernel(x, token_table, pos_table):
    B, L = x.shape
    D = token_table.shape[1]
    out = _emb_kernel(B, L, D)(x.astype(jnp.int32), token_table, pos_table)
    return out

# --- scband reference (transcript-rebuilt; emitter-appended) ---
"""Pipeline reference for scband-embeddings-positional-33105607918211 (READ-ONLY COPY).

The authoritative reference and input builder live on the scoring server;
editing this copy changes nothing except your own understanding.
"""

import jax, jax.numpy as jnp
import numpy as np

N_EMB = 1000000
EMB_DIM = 64
MAX_LEN = 512
B, L = 4096, 200


def setup_inputs(seed: int = 0) -> dict:
    key = jax.random.key(seed)
    k1, k2, k3 = jax.random.split(key, 3)
    x = jax.random.randint(k1, (B, L), 0, N_EMB, dtype=jnp.int64 if jax.config.jax_enable_x64 else jnp.int32)
    token_table = jax.random.normal(k2, (N_EMB, EMB_DIM), dtype=jnp.float32) * 0.02
    pos_table = jax.random.normal(k3, (MAX_LEN, EMB_DIM), dtype=jnp.float32) * 0.02
    return {"x": x, "token_table": token_table, "pos_table": pos_table}


def reference(x, token_table, pos_table):
    # Embeddings.forward: token embedding lookup
    tok = jnp.take(token_table, x, axis=0)  # [B, L, EMB_DIM]
    # input_pos is None -> arange(L)
    input_pos = jnp.arange(tok.shape[1])
    pos = jnp.take(pos_table, input_pos, axis=0)  # [L, EMB_DIM]
    out = tok + pos[None, :, :]
    return out

if __name__ == "__main__":
    import jax
    _d = setup_inputs()
    print(jax.jit(kernel)(*tuple(_d.values())))

</pallas_src>

<mosaic_0001>
#map = affine_map<(d0, d1) -> (0, 0)>
#map1 = affine_map<(d0, d1) -> (0, 0, 0)>
module attributes {stable_mosaic.version = 14 : i64} {
  func.func @k(%arg0: i32, %arg1: i32, %arg2: memref<4096x200xi32, #tpu.memory_space<hbm>>, %arg3: memref<1000000x64xf32, #tpu.memory_space<hbm>>, %arg4: memref<512x64xf32, #tpu.memory_space<hbm>>, %arg5: memref<4096x200x64xf32, #tpu.memory_space<hbm>>, %arg6: memref<128x200xi32, #tpu.memory_space<vmem>>, %arg7: memref<200x64xf32, #tpu.memory_space<vmem>>, %arg8: memref<200x64xf32, #tpu.memory_space<vmem>>, %arg9: memref<200x64xf32, #tpu.memory_space<vmem>>, %arg10: memref<200x64xf32, #tpu.memory_space<vmem>>, %arg11: memref<200x64xf32, #tpu.memory_space<vmem>>, %arg12: memref<!tpu.dma_semaphore, #tpu.memory_space<semaphore_mem>>, %arg13: memref<!tpu.dma_semaphore, #tpu.memory_space<semaphore_mem>>, %arg14: memref<!tpu.dma_semaphore, #tpu.memory_space<semaphore_mem>>, %arg15: memref<!tpu.dma_semaphore, #tpu.memory_space<semaphore_mem>>, %arg16: memref<!tpu.dma_semaphore, #tpu.memory_space<semaphore_mem>>, %arg17: memref<!tpu.dma_semaphore, #tpu.memory_space<semaphore_mem>>, %arg18: memref<!tpu.dma_semaphore, #tpu.memory_space<semaphore_mem>>, %arg19: memref<!tpu.dma_semaphore, #tpu.memory_space<semaphore_mem>>) attributes {dimension_semantics = [#tpu.dimension_semantics<core_parallel>, #tpu.dimension_semantics<subcore_parallel>], iteration_bounds = array<i64: 2, 16>, scalar_prefetch = 0 : i64, scratch_operands = 14 : i64, tpu.core_type = #tpu.core_type<sc_vector_subcore>, window_params = [{transform_indices = #map}, {transform_indices = #map}, {transform_indices = #map}, {transform_indices = #map1}]} {
    %mul3A = arith.constant 2 : i32
    %mul3A_0 = arith.muli %arg1, %mul3A : i32
    %add3A = arith.addi %mul3A_0, %arg0 : i32
    %mul3A_1 = arith.constant 128 : i32
    %mul3A_2 = arith.muli %add3A, %mul3A_1 : i32
    "tpu.region"() ({
      %run_scoped3A = tpu.sem_alloc : memref<!tpu.dma_semaphore, #tpu.memory_space<semaphore_mem>>
      %dma_start3A_59 = arith.constant 0 : i32
      %dma_start3A_60 = tpu.memref_slice %arg2[%mul3A_2, %dma_start3A_59] : memref<4096x200xi32, #tpu.memory_space<hbm>> -> memref<128x200xi32, #tpu.memory_space<hbm>>
      %dma_start3A_61 = arith.constant 0 : i32
      %dma_start3A_62 = tpu.memref_slice %arg2[%mul3A_2, %dma_start3A_61] : memref<4096x200xi32, #tpu.memory_space<hbm>> -> memref<128x200xi32, #tpu.memory_space<hbm>>
      tpu.enqueue_dma source(%dma_start3A_62 : memref<128x200xi32, #tpu.memory_space<hbm>>) target(%arg6 : memref<128x200xi32, #tpu.memory_space<vmem>>) target_semaphore(%run_scoped3A : memref<!tpu.dma_semaphore, #tpu.memory_space<semaphore_mem>>)
      %dma_wait3A_63 = arith.constant 0 : i32
      %dma_wait3A_64 = tpu.memref_slice %arg2[%mul3A_2, %dma_wait3A_63] : memref<4096x200xi32, #tpu.memory_space<hbm>> -> memref<128x200xi32, #tpu.memory_space<hbm>>
      %dma_wait3A_65 = arith.constant 0 : i32
      %dma_wait3A_66 = tpu.memref_slice %arg2[%mul3A_2, %dma_wait3A_65] : memref<4096x200xi32, #tpu.memory_space<hbm>> -> memref<128x200xi32, #tpu.memory_space<hbm>>
      tpu.wait_dma2 semaphore(%run_scoped3A : memref<!tpu.dma_semaphore, #tpu.memory_space<semaphore_mem>>) src(%dma_wait3A_66 : memref<128x200xi32, #tpu.memory_space<hbm>>) dst(%arg6 : memref<128x200xi32, #tpu.memory_space<vmem>>)
      tpu.yield
    }) : () -> ()
    "tpu.region"() ({
      %run_scoped3A = tpu.sem_alloc : memref<!tpu.dma_semaphore, #tpu.memory_space<semaphore_mem>>
      %dma_start3A_59 = arith.constant 0 : i32
      %dma_start3A_60 = arith.constant 0 : i32
      %dma_start3A_61 = tpu.memref_slice %arg4[%dma_start3A_59, %dma_start3A_60] : memref<512x64xf32, #tpu.memory_space<hbm>> -> memref<200x64xf32, #tpu.memory_space<hbm>>
      %dma_start3A_62 = arith.constant 0 : i32
      %dma_start3A_63 = arith.constant 0 : i32
      %dma_start3A_64 = tpu.memref_slice %arg4[%dma_start3A_62, %dma_start3A_63] : memref<512x64xf32, #tpu.memory_space<hbm>> -> memref<200x64xf32, #tpu.memory_space<hbm>>
      tpu.enqueue_dma source(%dma_start3A_64 : memref<200x64xf32, #tpu.memory_space<hbm>>) target(%arg7 : memref<200x64xf32, #tpu.memory_space<vmem>>) target_semaphore(%run_scoped3A : memref<!tpu.dma_semaphore, #tpu.memory_space<semaphore_mem>>)
      %dma_wait3A_65 = arith.constant 0 : i32
      %dma_wait3A_66 = arith.constant 0 : i32
      %dma_wait3A_67 = tpu.memref_slice %arg4[%dma_wait3A_65, %dma_wait3A_66] : memref<512x64xf32, #tpu.memory_space<hbm>> -> memref<200x64xf32, #tpu.memory_space<hbm>>
      %dma_wait3A_68 = arith.constant 0 : i32
      %dma_wait3A_69 = arith.constant 0 : i32
      %dma_wait3A_70 = tpu.memref_slice %arg4[%dma_wait3A_68, %dma_wait3A_69] : memref<512x64xf32, #tpu.memory_space<hbm>> -> memref<200x64xf32, #tpu.memory_space<hbm>>
      tpu.wait_dma2 semaphore(%run_scoped3A : memref<!tpu.dma_semaphore, #tpu.memory_space<semaphore_mem>>) src(%dma_wait3A_70 : memref<200x64xf32, #tpu.memory_space<hbm>>) dst(%arg7 : memref<200x64xf32, #tpu.memory_space<vmem>>)
      tpu.yield
    }) : () -> ()
    %dma_start3A = arith.constant 0 : i32
    %dma_start3A_3 = arith.constant 0 : i32
    %dma_start3A_4 = tpu.memref_slice %arg6[%dma_start3A, %dma_start3A_3] : memref<128x200xi32, #tpu.memory_space<vmem>> -> memref<1x200xi32, #tpu.memory_space<vmem>>
    %dma_start3A_5 = tpu.memref_squeeze %dma_start3A_4 : memref<1x200xi32, #tpu.memory_space<vmem>> -> memref<200xi32, #tpu.memory_space<vmem>>
    %dma_start3A_6 = arith.constant 0 : i32
    %dma_start3A_7 = arith.constant 0 : i32
    %dma_start3A_8 = tpu.memref_slice %arg3[%dma_start3A_6, %dma_start3A_7] : memref<1000000x64xf32, #tpu.memory_space<hbm>> -> memref<1000000x64xf32, #tpu.memory_space<hbm>>
    tpu.enqueue_indirect_dma source(%dma_start3A_8 : memref<1000000x64xf32, #tpu.memory_space<hbm>>) target(%arg8 : memref<200x64xf32, #tpu.memory_space<vmem>>) offsets(%dma_start3A_5 : memref<200xi32, #tpu.memory_space<vmem>>) semaphore(%arg12 : memref<!tpu.dma_semaphore, #tpu.memory_space<semaphore_mem>>)
    %dma_start3A_9 = arith.constant 1 : i32
    %dma_start3A_10 = arith.constant 0 : i32
    %dma_start3A_11 = tpu.memref_slice %arg6[%dma_start3A_9, %dma_start3A_10] : memref<128x200xi32, #tpu.memory_space<vmem>> -> memref<1x200xi32, #tpu.memory_space<vmem>>
    %dma_start3A_12 = tpu.memref_squeeze %dma_start3A_11 : memref<1x200xi32, #tpu.memory_space<vmem>> -> memref<200xi32, #tpu.memory_space<vmem>>
    %dma_start3A_13 = arith.constant 0 : i32
    %dma_start3A_14 = arith.constant 0 : i32
    %dma_start3A_15 = tpu.memref_slice %arg3[%dma_start3A_13, %dma_start3A_14] : memref<1000000x64xf32, #tpu.memory_space<hbm>> -> memref<1000000x64xf32, #tpu.memory_space<hbm>>
    tpu.enqueue_indirect_dma source(%dma_start3A_15 : memref<1000000x64xf32, #tpu.memory_space<hbm>>) target(%arg9 : memref<200x64xf32, #tpu.memory_space<vmem>>) offsets(%dma_start3A_12 : memref<200xi32, #tpu.memory_space<vmem>>) semaphore(%arg13 : memref<!tpu.dma_semaphore, #tpu.memory_space<semaphore_mem>>)
    %dma_start3A_16 = arith.constant 2 : i32
    %dma_start3A_17 = arith.constant 0 : i32
    %dma_start3A_18 = tpu.memref_slice %arg6[%dma_start3A_16, %dma_start3A_17] : memref<128x200xi32, #tpu.memory_space<vmem>> -> memref<1x200xi32, #tpu.memory_space<vmem>>
    %dma_start3A_19 = tpu.memref_squeeze %dma_start3A_18 : memref<1x200xi32, #tpu.memory_space<vmem>> -> memref<200xi32, #tpu.memory_space<vmem>>
    %dma_start3A_20 = arith.constant 0 : i32
    %dma_start3A_21 = arith.constant 0 : i32
    %dma_start3A_22 = tpu.memref_slice %arg3[%dma_start3A_20, %dma_start3A_21] : memref<1000000x64xf32, #tpu.memory_space<hbm>> -> memref<1000000x64xf32, #tpu.memory_space<hbm>>
    tpu.enqueue_indirect_dma source(%dma_start3A_22 : memref<1000000x64xf32, #tpu.memory_space<hbm>>) target(%arg10 : memref<200x64xf32, #tpu.memory_space<vmem>>) offsets(%dma_start3A_19 : memref<200xi32, #tpu.memory_space<vmem>>) semaphore(%arg14 : memref<!tpu.dma_semaphore, #tpu.memory_space<semaphore_mem>>)
    %scan3A = arith.constant 0 : i32
    %scan3A_23 = arith.constant 0 : i32
    %scan3A_24 = arith.constant 32 : i32
    %scan3A_25 = arith.addi %scan3A_23, %scan3A_24 : i32
    %scan3A_26 = arith.constant 1 : i32
    scf.for %scan3A_59 = %scan3A_23 to %scan3A_25 step %scan3A_26  : i32 {
      %mul3A_60 = arith.constant 4 : i32
      %mul3A_61 = arith.muli %scan3A_59, %mul3A_60 : i32
      %add3A_62 = arith.constant 0 : i32
      %add3A_63 = arith.addi %mul3A_61, %add3A_62 : i32
      %dma_wait3A_64 = arith.constant 0 : i32
      %dma_wait3A_65 = arith.constant 0 : i32
      %dma_wait3A_66 = tpu.memref_slice %arg6[%dma_wait3A_64, %dma_wait3A_65] : memref<128x200xi32, #tpu.memory_space<vmem>> -> memref<1x200xi32, #tpu.memory_space<vmem>>
      %dma_wait3A_67 = tpu.memref_squeeze %dma_wait3A_66 : memref<1x200xi32, #tpu.memory_space<vmem>> -> memref<200xi32, #tpu.memory_space<vmem>>
      %dma_wait3A_68 = arith.constant 0 : i32
      %dma_wait3A_69 = arith.constant 0 : i32
      %dma_wait3A_70 = tpu.memref_slice %arg3[%dma_wait3A_68, %dma_wait3A_69] : memref<1000000x64xf32, #tpu.memory_space<hbm>> -> memref<1000000x64xf32, #tpu.memory_space<hbm>>
      tpu.wait_indirect_dma semaphore(%arg12 : memref<!tpu.dma_semaphore, #tpu.memory_space<semaphore_mem>>) src(%dma_wait3A_70 : memref<1000000x64xf32, #tpu.memory_space<hbm>>) dst(%arg8 : memref<200x64xf32, #tpu.memory_space<vmem>>)
      %parallel_loop3A = arith.constant 0 : i32
      %parallel_loop3A_71 = arith.constant 200 : i32
      %parallel_loop3A_72 = arith.constant 1 : i32
      scf.for %parallel_loop3A_183 = %parallel_loop3A to %parallel_loop3A_71 step %parallel_loop3A_72  : i32 {
        %parallel_loop3A_184 = arith.index_cast %parallel_loop3A_183 : i32 to index
        %parallel_loop3A_185 = arith.constant 0 : index
        %parallel_loop3A_186 = tpu.vector_load %arg8[%parallel_loop3A_184, %parallel_loop3A_185] {strides = array<i32>} : memref<200x64xf32, #tpu.memory_space<vmem>>, vector<1x16xf32>,
        %parallel_loop3A_187 = vector.shape_cast %parallel_loop3A_186 : vector<1x16xf32> to vector<16xf32>
        %parallel_loop3A_188 = arith.index_cast %parallel_loop3A_183 : i32 to index
        %parallel_loop3A_189 = arith.constant 0 : index
        %parallel_loop3A_190 = tpu.vector_load %arg7[%parallel_loop3A_188, %parallel_loop3A_189] {strides = array<i32>} : memref<200x64xf32, #tpu.memory_space<vmem>>, vector<1x16xf32>,
        %parallel_loop3A_191 = vector.shape_cast %parallel_loop3A_190 : vector<1x16xf32> to vector<16xf32>
        %parallel_loop3A_192 = arith.addf %parallel_loop3A_187, %parallel_loop3A_191 : vector<16xf32>
        %parallel_loop3A_193 = arith.index_cast %parallel_loop3A_183 : i32 to index
        %parallel_loop3A_194 = arith.constant 0 : index
        %parallel_loop3A_195 = tpu.vector_load %arg8[%parallel_loop3A_193, %parallel_loop3A_194] {strides = array<i32>} : memref<200x64xf32, #tpu.memory_space<vmem>>, vector<1x16xf32>,
        %parallel_loop3A_196 = vector.shape_cast %parallel_loop3A_195 : vector<1x16xf32> to vector<16xf32>
        %parallel_loop3A_197 = vector.shape_cast %parallel_loop3A_192 : vector<16xf32> to vector<1x16xf32>
        tpu.vector_store %arg8[%parallel_loop3A_193, %parallel_loop3A_194], %parallel_loop3A_197 {strides = array<i32>} : memref<200x64xf32, #tpu.memory_space<vmem>>, vector<1x16xf32>,
        %parallel_loop3A_198 = arith.index_cast %parallel_loop3A_183 : i32 to index
        %parallel_loop3A_199 = arith.constant 16 : index
        %parallel_loop3A_200 = tpu.vector_load %arg8[%parallel_loop3A_198, %parallel_loop3A_199] {strides = array<i32>} : memref<200x64xf32, #tpu.memory_space<vmem>>, vector<1x16xf32>,
        %parallel_loop3A_201 = vector.shape_cast %parallel_loop3A_200 : vector<1x16xf32> to vector<16xf32>
        %parallel_loop3A_202 = arith.index_cast %parallel_loop3A_183 : i32 to index
        %parallel_loop3A_203 = arith.constant 16 : index
        %parallel_loop3A_204 = tpu.vector_load %arg7[%parallel_loop3A_202, %parallel_loop3A_203] {strides = array<i32>} : memref<200x64xf32, #tpu.memory_space<vmem>>, vector<1x16xf32>,
        %parallel_loop3A_205 = vector.shape_cast %parallel_loop3A_204 : vector<1x16xf32> to vector<16xf32>
        %parallel_loop3A_206 = arith.addf %parallel_loop3A_201, %parallel_loop3A_205 : vector<16xf32>
        %parallel_loop3A_207 = arith.index_cast %parallel_loop3A_183 : i32 to index
        %parallel_loop3A_208 = arith.constant 16 : index
        %parallel_loop3A_209 = tpu.vector_load %arg8[%parallel_loop3A_207, %parallel_loop3A_208] {strides = array<i32>} : memref<200x64xf32, #tpu.memory_space<vmem>>, vector<1x16xf32>,
        %parallel_loop3A_210 = vector.shape_cast %parallel_loop3A_209 : vector<1x16xf32> to vector<16xf32>
        %parallel_loop3A_211 = vector.shape_cast %parallel_loop3A_206 : vector<16xf32> to vector<1x16xf32>
        tpu.vector_store %arg8[%parallel_loop3A_207, %parallel_loop3A_208], %parallel_loop3A_211 {strides = array<i32>} : memref<200x64xf32, #tpu.memory_space<vmem>>, vector<1x16xf32>,
        %parallel_loop3A_212 = arith.index_cast %parallel_loop3A_183 : i32 to index
        %parallel_loop3A_213 = arith.constant 32 : index
        %parallel_loop3A_214 = tpu.vector_load %arg8[%parallel_loop3A_212, %parallel_loop3A_213] {strides = array<i32>} : memref<200x64xf32, #tpu.memory_space<vmem>>, vector<1x16xf32>,
        %parallel_loop3A_215 = vector.shape_cast %parallel_loop3A_214 : vector<1x16xf32> to vector<16xf32>
        %parallel_loop3A_216 = arith.index_cast %parallel_loop3A_183 : i32 to index
        %parallel_loop3A_217 = arith.constant 32 : index
        %parallel_loop3A_218 = tpu.vector_load %arg7[%parallel_loop3A_216, %parallel_loop3A_217] {strides = array<i32>} : memref<200x64xf32, #tpu.memory_space<vmem>>, vector<1x16xf32>,
        %parallel_loop3A_219 = vector.shape_cast %parallel_loop3A_218 : vector<1x16xf32> to vector<16xf32>
        %parallel_loop3A_220 = arith.addf %parallel_loop3A_215, %parallel_loop3A_219 : vector<16xf32>
        %parallel_loop3A_221 = arith.index_cast %parallel_loop3A_183 : i32 to index
        %parallel_loop3A_222 = arith.constant 32 : index
        %parallel_loop3A_223 = tpu.vector_load %arg8[%parallel_loop3A_221, %parallel_loop3A_222] {strides = array<i32>} : memref<200x64xf32, #tpu.memory_space<vmem>>, vector<1x16xf32>,
        %parallel_loop3A_224 = vector.shape_cast %parallel_loop3A_223 : vector<1x16xf32> to vector<16xf32>
        %parallel_loop3A_225 = vector.shape_cast %parallel_loop3A_220 : vector<16xf32> to vector<1x16xf32>
        tpu.vector_store %arg8[%parallel_loop3A_221, %parallel_loop3A_222], %parallel_loop3A_225 {strides = array<i32>} : memref<200x64xf32, #tpu.memory_space<vmem>>, vector<1x16xf32>,
        %parallel_loop3A_226 = arith.index_cast %parallel_loop3A_183 : i32 to index
        %parallel_loop3A_227 = arith.constant 48 : index
        %parallel_loop3A_228 = tpu.vector_load %arg8[%parallel_loop3A_226, %parallel_loop3A_227] {strides = array<i32>} : memref<200x64xf32, #tpu.memory_space<vmem>>, vector<1x16xf32>,
        %parallel_loop3A_229 = vector.shape_cast %parallel_loop3A_228 : vector<1x16xf32> to vector<16xf32>
        %parallel_loop3A_230 = arith.index_cast %parallel_loop3A_183 : i32 to index
        %parallel_loop3A_231 = arith.constant 48 : index
        %parallel_loop3A_232 = tpu.vector_load %arg7[%parallel_loop3A_230, %parallel_loop3A_231] {strides = array<i32>} : memref<200x64xf32, #tpu.memory_space<vmem>>, vector<1x16xf32>,
        %parallel_loop3A_233 = vector.shape_cast %parallel_loop3A_232 : vector<1x16xf32> to vector<16xf32>
        %parallel_loop3A_234 = arith.addf %parallel_loop3A_229, %parallel_loop3A_233 : vector<16xf32>
        %parallel_loop3A_235 = arith.index_cast %parallel_loop3A_183 : i32 to index
        %parallel_loop3A_236 = arith.constant 48 : index
        %parallel_loop3A_237 = tpu.vector_load %arg8[%parallel_loop3A_235, %parallel_loop3A_236] {strides = array<i32>} : memref<200x64xf32, #tpu.memory_space<vmem>>, vector<1x16xf32>,
        %parallel_loop3A_238 = vector.shape_cast %parallel_loop3A_237 : vector<1x16xf32> to vector<16xf32>
        %parallel_loop3A_239 = vector.shape_cast %parallel_loop3A_234 : vector<16xf32> to vector<1x16xf32>
        tpu.vector_store %arg8[%parallel_loop3A_235, %parallel_loop3A_236], %parallel_loop3A_239 {strides = array<i32>} : memref<200x64xf32, #tpu.memory_space<vmem>>, vector<1x16xf32>,
      } {sc.loop_unroll_factor = 8 : i64, sc.parallel_access}
      %add3A_73 = arith.addi %mul3A_2, %add3A_63 : i32
      %dma_start3A_74 = arith.constant 0 : i32
      %dma_start3A_75 = arith.constant 0 : i32
      %dma_start3A_76 = tpu.memref_slice %arg5[%add3A_73, %dma_start3A_74, %dma_start3A_75] : memref<4096x200x64xf32, #tpu.memory_space<hbm>> -> memref<1x200x64xf32, #tpu.memory_space<hbm>>
      %dma_start3A_77 = tpu.memref_squeeze %dma_start3A_76 : memref<1x200x64xf32, #tpu.memory_space<hbm>> -> memref<200x64xf32, #tpu.memory_space<hbm>>
      %dma_start3A_78 = arith.constant 0 : i32
      %dma_start3A_79 = arith.constant 0 : i32
      %dma_start3A_80 = tpu.memref_slice %arg5[%add3A_73, %dma_start3A_78, %dma_start3A_79] : memref<4096x200x64xf32, #tpu.memory_space<hbm>> -> memref<1x200x64xf32, #tpu.memory_space<hbm>>
      %dma_start3A_81 = tpu.memref_squeeze %dma_start3A_80 : memref<1x200x64xf32, #tpu.memory_space<hbm>> -> memref<200x64xf32, #tpu.memory_space<hbm>>
      tpu.enqueue_dma source(%arg8 : memref<200x64xf32, #tpu.memory_space<vmem>>) target(%dma_start3A_81 : memref<200x64xf32, #tpu.memory_space<hbm>>) target_semaphore(%arg16 : memref<!tpu.dma_semaphore, #tpu.memory_space<semaphore_mem>>)
      %add3A_82 = arith.constant 4 : i32
      %add3A_83 = arith.addi %add3A_63, %add3A_82 : i32
      %sub3A = arith.constant 1 : i32
      %sub3A_84 = arith.subi %add3A_83, %sub3A : i32
      %lt3A = arith.constant 128 : i32
      %lt3A_85 = arith.cmpi slt, %sub3A_84, %lt3A : i32
      %convert_element_type3A = arith.extui %lt3A_85 : i1 to i32
      %cond3A = arith.constant 0 : i32
      %cond3A_86 = arith.cmpi ne, %convert_element_type3A, %cond3A : i32
      scf.if %cond3A_86 {
        %ge3A = arith.constant 1 : i32
        %ge3A_183 = arith.cmpi sge, %add3A_63, %ge3A : i32
        %convert_element_type3A_184 = arith.extui %ge3A_183 : i1 to i32
        %cond3A_185 = arith.constant 0 : i32
        %cond3A_186 = arith.cmpi ne, %convert_element_type3A_184, %cond3A_185 : i32
        scf.if %cond3A_186 {
          %dma_wait3A_193 = arith.constant 0 : i32
          %dma_wait3A_194 = arith.constant 0 : i32
          %dma_wait3A_195 = tpu.memref_slice %arg5[%mul3A_2, %dma_wait3A_193, %dma_wait3A_194] : memref<4096x200x64xf32, #tpu.memory_space<hbm>> -> memref<1x200x64xf32, #tpu.memory_space<hbm>>
          %dma_wait3A_196 = tpu.memref_squeeze %dma_wait3A_195 : memref<1x200x64xf32, #tpu.memory_space<hbm>> -> memref<200x64xf32, #tpu.memory_space<hbm>>
          %dma_wait3A_197 = arith.constant 0 : i32
          %dma_wait3A_198 = arith.constant 0 : i32
          %dma_wait3A_199 = tpu.memref_slice %arg5[%mul3A_2, %dma_wait3A_197, %dma_wait3A_198] : memref<4096x200x64xf32, #tpu.memory_space<hbm>> -> memref<1x200x64xf32, #tpu.memory_space<hbm>>
          %dma_wait3A_200 = tpu.memref_squeeze %dma_wait3A_199 : memref<1x200x64xf32, #tpu.memory_space<hbm>> -> memref<200x64xf32, #tpu.memory_space<hbm>>
          tpu.wait_dma2 semaphore(%arg19 : memref<!tpu.dma_semaphore, #tpu.memory_space<semaphore_mem>>) src(%arg11 : memref<200x64xf32, #tpu.memory_space<vmem>>) dst(%dma_wait3A_200 : memref<200x64xf32, #tpu.memory_space<hbm>>)
        } else {
        }
        %dma_start3A_187 = arith.constant 0 : i32
        %dma_start3A_188 = tpu.memref_slice %arg6[%sub3A_84, %dma_start3A_187] : memref<128x200xi32, #tpu.memory_space<vmem>> -> memref<1x200xi32, #tpu.memory_space<vmem>>
        %dma_start3A_189 = tpu.memref_squeeze %dma_start3A_188 : memref<1x200xi32, #tpu.memory_space<vmem>> -> memref<200xi32, #tpu.memory_space<vmem>>
        %dma_start3A_190 = arith.constant 0 : i32
        %dma_start3A_191 = arith.constant 0 : i32
        %dma_start3A_192 = tpu.memref_slice %arg3[%dma_start3A_190, %dma_start3A_191] : memref<1000000x64xf32, #tpu.memory_space<hbm>> -> memref<1000000x64xf32, #tpu.memory_space<hbm>>
        tpu.enqueue_indirect_dma source(%dma_start3A_192 : memref<1000000x64xf32, #tpu.memory_space<hbm>>) target(%arg11 : memref<200x64xf32, #tpu.memory_space<vmem>>) offsets(%dma_start3A_189 : memref<200xi32, #tpu.memory_space<vmem>>) semaphore(%arg15 : memref<!tpu.dma_semaphore, #tpu.memory_space<semaphore_mem>>)
      } else {
      }
      %mul3A_87 = arith.constant 4 : i32
      %mul3A_88 = arith.muli %scan3A_59, %mul3A_87 : i32
      %add3A_89 = arith.constant 1 : i32
      %add3A_90 = arith.addi %mul3A_88, %add3A_89 : i32
      %dma_wait3A_91 = arith.constant 0 : i32
      %dma_wait3A_92 = arith.constant 0 : i32
      %dma_wait3A_93 = tpu.memref_slice %arg6[%dma_wait3A_91, %dma_wait3A_92] : memref<128x200xi32, #tpu.memory_space<vmem>> -> memref<1x200xi32, #tpu.memory_space<vmem>>
      %dma_wait3A_94 = tpu.memref_squeeze %dma_wait3A_93 : memref<1x200xi32, #tpu.memory_space<vmem>> -> memref<200xi32, #tpu.memory_space<vmem>>
      %dma_wait3A_95 = arith.constant 0 : i32
      %dma_wait3A_96 = arith.constant 0 : i32
      %dma_wait3A_97 = tpu.memref_slice %arg3[%dma_wait3A_95, %dma_wait3A_96] : memref<1000000x64xf32, #tpu.memory_space<hbm>> -> memref<1000000x64xf32, #tpu.memory_space<hbm>>
      tpu.wait_indirect_dma semaphore(%arg13 : memref<!tpu.dma_semaphore, #tpu.memory_space<semaphore_mem>>) src(%dma_wait3A_97 : memref<1000000x64xf32, #tpu.memory_space<hbm>>) dst(%arg9 : memref<200x64xf32, #tpu.memory_space<vmem>>)
      %parallel_loop3A_98 = arith.constant 0 : i32
      %parallel_loop3A_99 = arith.constant 200 : i32
      %parallel_loop3A_100 = arith.constant 1 : i32
      scf.for %parallel_loop3A_183 = %parallel_loop3A_98 to %parallel_loop3A_99 step %parallel_loop3A_100  : i32 {
        %parallel_loop3A_184 = arith.index_cast %parallel_loop3A_183 : i32 to index
        %parallel_loop3A_185 = arith.constant 0 : index
        %parallel_loop3A_186 = tpu.vector_load %arg9[%parallel_loop3A_184, %parallel_loop3A_185] {strides = array<i32>} : memref<200x64xf32, #tpu.memory_space<vmem>>, vector<1x16xf32>,
        %parallel_loop3A_187 = vector.shape_cast %parallel_loop3A_186 : vector<1x16xf32> to vector<16xf32>
        %parallel_loop3A_188 = arith.index_cast %parallel_loop3A_183 : i32 to index
        %parallel_loop3A_189 = arith.constant 0 : index
        %parallel_loop3A_190 = tpu.vector_load %arg7[%parallel_loop3A_188, %parallel_loop3A_189] {strides = array<i32>} : memref<200x64xf32, #tpu.memory_space<vmem>>, vector<1x16xf32>,
        %parallel_loop3A_191 = vector.shape_cast %parallel_loop3A_190 : vector<1x16xf32> to vector<16xf32>
        %parallel_loop3A_192 = arith.addf %parallel_loop3A_187, %parallel_loop3A_191 : vector<16xf32>
        %parallel_loop3A_193 = arith.index_cast %parallel_loop3A_183 : i32 to index
        %parallel_loop3A_194 = arith.constant 0 : index
        %parallel_loop3A_195 = tpu.vector_load %arg9[%parallel_loop3A_193, %parallel_loop3A_194] {strides = array<i32>} : memref<200x64xf32, #tpu.memory_space<vmem>>, vector<1x16xf32>,
        %parallel_loop3A_196 = vector.shape_cast %parallel_loop3A_195 : vector<1x16xf32> to vector<16xf32>
        %parallel_loop3A_197 = vector.shape_cast %parallel_loop3A_192 : vector<16xf32> to vector<1x16xf32>
        tpu.vector_store %arg9[%parallel_loop3A_193, %parallel_loop3A_194], %parallel_loop3A_197 {strides = array<i32>} : memref<200x64xf32, #tpu.memory_space<vmem>>, vector<1x16xf32>,
        %parallel_loop3A_198 = arith.index_cast %parallel_loop3A_183 : i32 to index
        %parallel_loop3A_199 = arith.constant 16 : index
        %parallel_loop3A_200 = tpu.vector_load %arg9[%parallel_loop3A_198, %parallel_loop3A_199] {strides = array<i32>} : memref<200x64xf32, #tpu.memory_space<vmem>>, vector<1x16xf32>,
        %parallel_loop3A_201 = vector.shape_cast %parallel_loop3A_200 : vector<1x16xf32> to vector<16xf32>
        %parallel_loop3A_202 = arith.index_cast %parallel_loop3A_183 : i32 to index
        %parallel_loop3A_203 = arith.constant 16 : index
        %parallel_loop3A_204 = tpu.vector_load %arg7[%parallel_loop3A_202, %parallel_loop3A_203] {strides = array<i32>} : memref<200x64xf32, #tpu.memory_space<vmem>>, vector<1x16xf32>,
        %parallel_loop3A_205 = vector.shape_cast %parallel_loop3A_204 : vector<1x16xf32> to vector<16xf32>
        %parallel_loop3A_206 = arith.addf %parallel_loop3A_201, %parallel_loop3A_205 : vector<16xf32>
        %parallel_loop3A_207 = arith.index_cast %parallel_loop3A_183 : i32 to index
        %parallel_loop3A_208 = arith.constant 16 : index
        %parallel_loop3A_209 = tpu.vector_load %arg9[%parallel_loop3A_207, %parallel_loop3A_208] {strides = array<i32>} : memref<200x64xf32, #tpu.memory_space<vmem>>, vector<1x16xf32>,
        %parallel_loop3A_210 = vector.shape_cast %parallel_loop3A_209 : vector<1x16xf32> to vector<16xf32>
        %parallel_loop3A_211 = vector.shape_cast %parallel_loop3A_206 : vector<16xf32> to vector<1x16xf32>
        tpu.vector_store %arg9[%parallel_loop3A_207, %parallel_loop3A_208], %parallel_loop3A_211 {strides = array<i32>} : memref<200x64xf32, #tpu.memory_space<vmem>>, vector<1x16xf32>,
        %parallel_loop3A_212 = arith.index_cast %parallel_loop3A_183 : i32 to index
        %parallel_loop3A_213 = arith.constant 32 : index
        %parallel_loop3A_214 = tpu.vector_load %arg9[%parallel_loop3A_212, %parallel_loop3A_213] {strides = array<i32>} : memref<200x64xf32, #tpu.memory_space<vmem>>, vector<1x16xf32>,
        %parallel_loop3A_215 = vector.shape_cast %parallel_loop3A_214 : vector<1x16xf32> to vector<16xf32>
        %parallel_loop3A_216 = arith.index_cast %parallel_loop3A_183 : i32 to index
        %parallel_loop3A_217 = arith.constant 32 : index
        %parallel_loop3A_218 = tpu.vector_load %arg7[%parallel_loop3A_216, %parallel_loop3A_217] {strides = array<i32>} : memref<200x64xf32, #tpu.memory_space<vmem>>, vector<1x16xf32>,
        %parallel_loop3A_219 = vector.shape_cast %parallel_loop3A_218 : vector<1x16xf32> to vector<16xf32>
        %parallel_loop3A_220 = arith.addf %parallel_loop3A_215, %parallel_loop3A_219 : vector<16xf32>
        %parallel_loop3A_221 = arith.index_cast %parallel_loop3A_183 : i32 to index
        %parallel_loop3A_222 = arith.constant 32 : index
        %parallel_loop3A_223 = tpu.vector_load %arg9[%parallel_loop3A_221, %parallel_loop3A_222] {strides = array<i32>} : memref<200x64xf32, #tpu.memory_space<vmem>>, vector<1x16xf32>,
        %parallel_loop3A_224 = vector.shape_cast %parallel_loop3A_223 : vector<1x16xf32> to vector<16xf32>
        %parallel_loop3A_225 = vector.shape_cast %parallel_loop3A_220 : vector<16xf32> to vector<1x16xf32>
        tpu.vector_store %arg9[%parallel_loop3A_221, %parallel_loop3A_222], %parallel_loop3A_225 {strides = array<i32>} : memref<200x64xf32, #tpu.memory_space<vmem>>, vector<1x16xf32>,
        %parallel_loop3A_226 = arith.index_cast %parallel_loop3A_183 : i32 to index
        %parallel_loop3A_227 = arith.constant 48 : index
        %parallel_loop3A_228 = tpu.vector_load %arg9[%parallel_loop3A_226, %parallel_loop3A_227] {strides = array<i32>} : memref<200x64xf32, #tpu.memory_space<vmem>>, vector<1x16xf32>,
        %parallel_loop3A_229 = vector.shape_cast %parallel_loop3A_228 : vector<1x16xf32> to vector<16xf32>
        %parallel_loop3A_230 = arith.index_cast %parallel_loop3A_183 : i32 to index
        %parallel_loop3A_231 = arith.constant 48 : index
        %parallel_loop3A_232 = tpu.vector_load %arg7[%parallel_loop3A_230, %parallel_loop3A_231] {strides = array<i32>} : memref<200x64xf32, #tpu.memory_space<vmem>>, vector<1x16xf32>,
        %parallel_loop3A_233 = vector.shape_cast %parallel_loop3A_232 : vector<1x16xf32> to vector<16xf32>
        %parallel_loop3A_234 = arith.addf %parallel_loop3A_229, %parallel_loop3A_233 : vector<16xf32>
        %parallel_loop3A_235 = arith.index_cast %parallel_loop3A_183 : i32 to index
        %parallel_loop3A_236 = arith.constant 48 : index
        %parallel_loop3A_237 = tpu.vector_load %arg9[%parallel_loop3A_235, %parallel_loop3A_236] {strides = array<i32>} : memref<200x64xf32, #tpu.memory_space<vmem>>, vector<1x16xf32>,
        %parallel_loop3A_238 = vector.shape_cast %parallel_loop3A_237 : vector<1x16xf32> to vector<16xf32>
        %parallel_loop3A_239 = vector.shape_cast %parallel_loop3A_234 : vector<16xf32> to vector<1x16xf32>
        tpu.vector_store %arg9[%parallel_loop3A_235, %parallel_loop3A_236], %parallel_loop3A_239 {strides = array<i32>} : memref<200x64xf32, #tpu.memory_space<vmem>>, vector<1x16xf32>,
      } {sc.loop_unroll_factor = 8 : i64, sc.parallel_access}
      %add3A_101 = arith.addi %mul3A_2, %add3A_90 : i32
      %dma_start3A_102 = arith.constant 0 : i32
      %dma_start3A_103 = arith.constant 0 : i32
      %dma_start3A_104 = tpu.memref_slice %arg5[%add3A_101, %dma_start3A_102, %dma_start3A_103] : memref<4096x200x64xf32, #tpu.memory_space<hbm>> -> memref<1x200x64xf32, #tpu.memory_space<hbm>>
      %dma_start3A_105 = tpu.memref_squeeze %dma_start3A_104 : memref<1x200x64xf32, #tpu.memory_space<hbm>> -> memref<200x64xf32, #tpu.memory_space<hbm>>
      %dma_start3A_106 = arith.constant 0 : i32
      %dma_start3A_107 = arith.constant 0 : i32
      %dma_start3A_108 = tpu.memref_slice %arg5[%add3A_101, %dma_start3A_106, %dma_start3A_107] : memref<4096x200x64xf32, #tpu.memory_space<hbm>> -> memref<1x200x64xf32, #tpu.memory_space<hbm>>
      %dma_start3A_109 = tpu.memref_squeeze %dma_start3A_108 : memref<1x200x64xf32, #tpu.memory_space<hbm>> -> memref<200x64xf32, #tpu.memory_space<hbm>>
      tpu.enqueue_dma source(%arg9 : memref<200x64xf32, #tpu.memory_space<vmem>>) target(%dma_start3A_109 : memref<200x64xf32, #tpu.memory_space<hbm>>) target_semaphore(%arg17 : memref<!tpu.dma_semaphore, #tpu.memory_space<semaphore_mem>>)
      %add3A_110 = arith.constant 4 : i32
      %add3A_111 = arith.addi %add3A_90, %add3A_110 : i32
      %sub3A_112 = arith.constant 1 : i32
      %sub3A_113 = arith.subi %add3A_111, %sub3A_112 : i32
      %lt3A_114 = arith.constant 128 : i32
      %lt3A_115 = arith.cmpi slt, %sub3A_113, %lt3A_114 : i32
      %convert_element_type3A_116 = arith.extui %lt3A_115 : i1 to i32
      %cond3A_117 = arith.constant 0 : i32
      %cond3A_118 = arith.cmpi ne, %convert_element_type3A_116, %cond3A_117 : i32
      scf.if %cond3A_118 {
        %ge3A = arith.constant 1 : i32
        %ge3A_183 = arith.cmpi sge, %add3A_90, %ge3A : i32
        %convert_element_type3A_184 = arith.extui %ge3A_183 : i1 to i32
        %cond3A_185 = arith.constant 0 : i32
        %cond3A_186 = arith.cmpi ne, %convert_element_type3A_184, %cond3A_185 : i32
        scf.if %cond3A_186 {
          %dma_wait3A_193 = arith.constant 0 : i32
          %dma_wait3A_194 = arith.constant 0 : i32
          %dma_wait3A_195 = tpu.memref_slice %arg5[%mul3A_2, %dma_wait3A_193, %dma_wait3A_194] : memref<4096x200x64xf32, #tpu.memory_space<hbm>> -> memref<1x200x64xf32, #tpu.memory_space<hbm>>
          %dma_wait3A_196 = tpu.memref_squeeze %dma_wait3A_195 : memref<1x200x64xf32, #tpu.memory_space<hbm>> -> memref<200x64xf32, #tpu.memory_space<hbm>>
          %dma_wait3A_197 = arith.constant 0 : i32
          %dma_wait3A_198 = arith.constant 0 : i32
          %dma_wait3A_199 = tpu.memref_slice %arg5[%mul3A_2, %dma_wait3A_197, %dma_wait3A_198] : memref<4096x200x64xf32, #tpu.memory_space<hbm>> -> memref<1x200x64xf32, #tpu.memory_space<hbm>>
          %dma_wait3A_200 = tpu.memref_squeeze %dma_wait3A_199 : memref<1x200x64xf32, #tpu.memory_space<hbm>> -> memref<200x64xf32, #tpu.memory_space<hbm>>
          tpu.wait_dma2 semaphore(%arg16 : memref<!tpu.dma_semaphore, #tpu.memory_space<semaphore_mem>>) src(%arg8 : memref<200x64xf32, #tpu.memory_space<vmem>>) dst(%dma_wait3A_200 : memref<200x64xf32, #tpu.memory_space<hbm>>)
        } else {
        }
        %dma_start3A_187 = arith.constant 0 : i32
        %dma_start3A_188 = tpu.memref_slice %arg6[%sub3A_113, %dma_start3A_187] : memref<128x200xi32, #tpu.memory_space<vmem>> -> memref<1x200xi32, #tpu.memory_space<vmem>>
        %dma_start3A_189 = tpu.memref_squeeze %dma_start3A_188 : memref<1x200xi32, #tpu.memory_space<vmem>> -> memref<200xi32, #tpu.memory_space<vmem>>
        %dma_start3A_190 = arith.constant 0 : i32
        %dma_start3A_191 = arith.constant 0 : i32
        %dma_start3A_192 = tpu.memref_slice %arg3[%dma_start3A_190, %dma_start3A_191] : memref<1000000x64xf32, #tpu.memory_space<hbm>> -> memref<1000000x64xf32, #tpu.memory_space<hbm>>
        tpu.enqueue_indirect_dma source(%dma_start3A_192 : memref<1000000x64xf32, #tpu.memory_space<hbm>>) target(%arg8 : memref<200x64xf32, #tpu.memory_space<vmem>>) offsets(%dma_start3A_189 : memref<200xi32, #tpu.memory_space<vmem>>) semaphore(%arg12 : memref<!tpu.dma_semaphore, #tpu.memory_space<semaphore_mem>>)
      } else {
      }
      %mul3A_119 = arith.constant 4 : i32
      %mul3A_120 = arith.muli %scan3A_59, %mul3A_119 : i32
      %add3A_121 = arith.constant 2 : i32
      %add3A_122 = arith.addi %mul3A_120, %add3A_121 : i32
      %dma_wait3A_123 = arith.constant 0 : i32
      %dma_wait3A_124 = arith.constant 0 : i32
      %dma_wait3A_125 = tpu.memref_slice %arg6[%dma_wait3A_123, %dma_wait3A_124] : memref<128x200xi32, #tpu.memory_space<vmem>> -> memref<1x200xi32, #tpu.memory_space<vmem>>
      %dma_wait3A_126 = tpu.memref_squeeze %dma_wait3A_125 : memref<1x200xi32, #tpu.memory_space<vmem>> -> memref<200xi32, #tpu.memory_space<vmem>>
      %dma_wait3A_127 = arith.constant 0 : i32
      %dma_wait3A_128 = arith.constant 0 : i32
      %dma_wait3A_129 = tpu.memref_slice %arg3[%dma_wait3A_127, %dma_wait3A_128] : memref<1000000x64xf32, #tpu.memory_space<hbm>> -> memref<1000000x64xf32, #tpu.memory_space<hbm>>
      tpu.wait_indirect_dma semaphore(%arg14 : memref<!tpu.dma_semaphore, #tpu.memory_space<semaphore_mem>>) src(%dma_wait3A_129 : memref<1000000x64xf32, #tpu.memory_space<hbm>>) dst(%arg10 : memref<200x64xf32, #tpu.memory_space<vmem>>)
      %parallel_loop3A_130 = arith.constant 0 : i32
      %parallel_loop3A_131 = arith.constant 200 : i32
      %parallel_loop3A_132 = arith.constant 1 : i32
      scf.for %parallel_loop3A_183 = %parallel_loop3A_130 to %parallel_loop3A_131 step %parallel_loop3A_132  : i32 {
        %parallel_loop3A_184 = arith.index_cast %parallel_loop3A_183 : i32 to index
        %parallel_loop3A_185 = arith.constant 0 : index
        %parallel_loop3A_186 = tpu.vector_load %arg10[%parallel_loop3A_184, %parallel_loop3A_185] {strides = array<i32>} : memref<200x64xf32, #tpu.memory_space<vmem>>, vector<1x16xf32>,
        %parallel_loop3A_187 = vector.shape_cast %parallel_loop3A_186 : vector<1x16xf32> to vector<16xf32>
        %parallel_loop3A_188 = arith.index_cast %parallel_loop3A_183 : i32 to index
        %parallel_loop3A_189 = arith.constant 0 : index
        %parallel_loop3A_190 = tpu.vector_load %arg7[%parallel_loop3A_188, %parallel_loop3A_189] {strides = array<i32>} : memref<200x64xf32, #tpu.memory_space<vmem>>, vector<1x16xf32>,
        %parallel_loop3A_191 = vector.shape_cast %parallel_loop3A_190 : vector<1x16xf32> to vector<16xf32>
        %parallel_loop3A_192 = arith.addf %parallel_loop3A_187, %parallel_loop3A_191 : vector<16xf32>
        %parallel_loop3A_193 = arith.index_cast %parallel_loop3A_183 : i32 to index
        %parallel_loop3A_194 = arith.constant 0 : index
        %parallel_loop3A_195 = tpu.vector_load %arg10[%parallel_loop3A_193, %parallel_loop3A_194] {strides = array<i32>} : memref<200x64xf32, #tpu.memory_space<vmem>>, vector<1x16xf32>,
        %parallel_loop3A_196 = vector.shape_cast %parallel_loop3A_195 : vector<1x16xf32> to vector<16xf32>
        %parallel_loop3A_197 = vector.shape_cast %parallel_loop3A_192 : vector<16xf32> to vector<1x16xf32>
        tpu.vector_store %arg10[%parallel_loop3A_193, %parallel_loop3A_194], %parallel_loop3A_197 {strides = array<i32>} : memref<200x64xf32, #tpu.memory_space<vmem>>, vector<1x16xf32>,
        %parallel_loop3A_198 = arith.index_cast %parallel_loop3A_183 : i32 to index
        %parallel_loop3A_199 = arith.constant 16 : index
        %parallel_loop3A_200 = tpu.vector_load %arg10[%parallel_loop3A_198, %parallel_loop3A_199] {strides = array<i32>} : memref<200x64xf32, #tpu.memory_space<vmem>>, vector<1x16xf32>,
        %parallel_loop3A_201 = vector.shape_cast %parallel_loop3A_200 : vector<1x16xf32> to vector<16xf32>
        %parallel_loop3A_202 = arith.index_cast %parallel_loop3A_183 : i32 to index
        %parallel_loop3A_203 = arith.constant 16 : index
        %parallel_loop3A_204 = tpu.vector_load %arg7[%parallel_loop3A_202, %parallel_loop3A_203] {strides = array<i32>} : memref<200x64xf32, #tpu.memory_space<vmem>>, vector<1x16xf32>,
        %parallel_loop3A_205 = vector.shape_cast %parallel_loop3A_204 : vector<1x16xf32> to vector<16xf32>
        %parallel_loop3A_206 = arith.addf %parallel_loop3A_201, %parallel_loop3A_205 : vector<16xf32>
        %parallel_loop3A_207 = arith.index_cast %parallel_loop3A_183 : i32 to index
        %parallel_loop3A_208 = arith.constant 16 : index
        %parallel_loop3A_209 = tpu.vector_load %arg10[%parallel_loop3A_207, %parallel_loop3A_208] {strides = array<i32>} : memref<200x64xf32, #tpu.memory_space<vmem>>, vector<1x16xf32>,
        %parallel_loop3A_210 = vector.shape_cast %parallel_loop3A_209 : vector<1x16xf32> to vector<16xf32>
        %parallel_loop3A_211 = vector.shape_cast %parallel_loop3A_206 : vector<16xf32> to vector<1x16xf32>
        tpu.vector_store %arg10[%parallel_loop3A_207, %parallel_loop3A_208], %parallel_loop3A_211 {strides = array<i32>} : memref<200x64xf32, #tpu.memory_space<vmem>>, vector<1x16xf32>,
        %parallel_loop3A_212 = arith.index_cast %parallel_loop3A_183 : i32 to index
        %parallel_loop3A_213 = arith.constant 32 : index
        %parallel_loop3A_214 = tpu.vector_load %arg10[%parallel_loop3A_212, %parallel_loop3A_213] {strides = array<i32>} : memref<200x64xf32, #tpu.memory_space<vmem>>, vector<1x16xf32>,
        %parallel_loop3A_215 = vector.shape_cast %parallel_loop3A_214 : vector<1x16xf32> to vector<16xf32>
        %parallel_loop3A_216 = arith.index_cast %parallel_loop3A_183 : i32 to index
        %parallel_loop3A_217 = arith.constant 32 : index
        %parallel_loop3A_218 = tpu.vector_load %arg7[%parallel_loop3A_216, %parallel_loop3A_217] {strides = array<i32>} : memref<200x64xf32, #tpu.memory_space<vmem>>, vector<1x16xf32>,
        %parallel_loop3A_219 = vector.shape_cast %parallel_loop3A_218 : vector<1x16xf32> to vector<16xf32>
        %parallel_loop3A_220 = arith.addf %parallel_loop3A_215, %parallel_loop3A_219 : vector<16xf32>
        %parallel_loop3A_221 = arith.index_cast %parallel_loop3A_183 : i32 to index
        %parallel_loop3A_222 = arith.constant 32 : index
        %parallel_loop3A_223 = tpu.vector_load %arg10[%parallel_loop3A_221, %parallel_loop3A_222] {strides = array<i32>} : memref<200x64xf32, #tpu.memory_space<vmem>>, vector<1x16xf32>,
        %parallel_loop3A_224 = vector.shape_cast %parallel_loop3A_223 : vector<1x16xf32> to vector<16xf32>
        %parallel_loop3A_225 = vector.shape_cast %parallel_loop3A_220 : vector<16xf32> to vector<1x16xf32>
        tpu.vector_store %arg10[%parallel_loop3A_221, %parallel_loop3A_222], %parallel_loop3A_225 {strides = array<i32>} : memref<200x64xf32, #tpu.memory_space<vmem>>, vector<1x16xf32>,
        %parallel_loop3A_226 = arith.index_cast %parallel_loop3A_183 : i32 to index
        %parallel_loop3A_227 = arith.constant 48 : index
        %parallel_loop3A_228 = tpu.vector_load %arg10[%parallel_loop3A_226, %parallel_loop3A_227] {strides = array<i32>} : memref<200x64xf32, #tpu.memory_space<vmem>>, vector<1x16xf32>,
        %parallel_loop3A_229 = vector.shape_cast %parallel_loop3A_228 : vector<1x16xf32> to vector<16xf32>
        %parallel_loop3A_230 = arith.index_cast %parallel_loop3A_183 : i32 to index
        %parallel_loop3A_231 = arith.constant 48 : index
        %parallel_loop3A_232 = tpu.vector_load %arg7[%parallel_loop3A_230, %parallel_loop3A_231] {strides = array<i32>} : memref<200x64xf32, #tpu.memory_space<vmem>>, vector<1x16xf32>,
        %parallel_loop3A_233 = vector.shape_cast %parallel_loop3A_232 : vector<1x16xf32> to vector<16xf32>
        %parallel_loop3A_234 = arith.addf %parallel_loop3A_229, %parallel_loop3A_233 : vector<16xf32>
        %parallel_loop3A_235 = arith.index_cast %parallel_loop3A_183 : i32 to index
        %parallel_loop3A_236 = arith.constant 48 : index
        %parallel_loop3A_237 = tpu.vector_load %arg10[%parallel_loop3A_235, %parallel_loop3A_236] {strides = array<i32>} : memref<200x64xf32, #tpu.memory_space<vmem>>, vector<1x16xf32>,
        %parallel_loop3A_238 = vector.shape_cast %parallel_loop3A_237 : vector<1x16xf32> to vector<16xf32>
        %parallel_loop3A_239 = vector.shape_cast %parallel_loop3A_234 : vector<16xf32> to vector<1x16xf32>
        tpu.vector_store %arg10[%parallel_loop3A_235, %parallel_loop3A_236], %parallel_loop3A_239 {strides = array<i32>} : memref<200x64xf32, #tpu.memory_space<vmem>>, vector<1x16xf32>,
      } {sc.loop_unroll_factor = 8 : i64, sc.parallel_access}
      %add3A_133 = arith.addi %mul3A_2, %add3A_122 : i32
      %dma_start3A_134 = arith.constant 0 : i32
      %dma_start3A_135 = arith.constant 0 : i32
      %dma_start3A_136 = tpu.memref_slice %arg5[%add3A_133, %dma_start3A_134, %dma_start3A_135] : memref<4096x200x64xf32, #tpu.memory_space<hbm>> -> memref<1x200x64xf32, #tpu.memory_space<hbm>>
      %dma_start3A_137 = tpu.memref_squeeze %dma_start3A_136 : memref<1x200x64xf32, #tpu.memory_space<hbm>> -> memref<200x64xf32, #tpu.memory_space<hbm>>
      %dma_start3A_138 = arith.constant 0 : i32
      %dma_start3A_139 = arith.constant 0 : i32
      %dma_start3A_140 = tpu.memref_slice %arg5[%add3A_133, %dma_start3A_138, %dma_start3A_139] : memref<4096x200x64xf32, #tpu.memory_space<hbm>> -> memref<1x200x64xf32, #tpu.memory_space<hbm>>
      %dma_start3A_141 = tpu.memref_squeeze %dma_start3A_140 : memref<1x200x64xf32, #tpu.memory_space<hbm>> -> memref<200x64xf32, #tpu.memory_space<hbm>>
      tpu.enqueue_dma source(%arg10 : memref<200x64xf32, #tpu.memory_space<vmem>>) target(%dma_start3A_141 : memref<200x64xf32, #tpu.memory_space<hbm>>) target_semaphore(%arg18 : memref<!tpu.dma_semaphore, #tpu.memory_space<semaphore_mem>>)
      %add3A_142 = arith.constant 4 : i32
      %add3A_143 = arith.addi %add3A_122, %add3A_142 : i32
      %sub3A_144 = arith.constant 1 : i32
      %sub3A_145 = arith.subi %add3A_143, %sub3A_144 : i32
      %lt3A_146 = arith.constant 128 : i32
      %lt3A_147 = arith.cmpi slt, %sub3A_145, %lt3A_146 : i32
      %convert_element_type3A_148 = arith.extui %lt3A_147 : i1 to i32
      %cond3A_149 = arith.constant 0 : i32
      %cond3A_150 = arith.cmpi ne, %convert_element_type3A_148, %cond3A_149 : i32
      scf.if %cond3A_150 {
        %ge3A = arith.constant 1 : i32
        %ge3A_183 = arith.cmpi sge, %add3A_122, %ge3A : i32
        %convert_element_type3A_184 = arith.extui %ge3A_183 : i1 to i32
        %cond3A_185 = arith.constant 0 : i32
        %cond3A_186 = arith.cmpi ne, %convert_element_type3A_184, %cond3A_185 : i32
        scf.if %cond3A_186 {
          %dma_wait3A_193 = arith.constant 0 : i32
          %dma_wait3A_194 = arith.constant 0 : i32
          %dma_wait3A_195 = tpu.memref_slice %arg5[%mul3A_2, %dma_wait3A_193, %dma_wait3A_194] : memref<4096x200x64xf32, #tpu.memory_space<hbm>> -> memref<1x200x64xf32, #tpu.memory_space<hbm>>
          %dma_wait3A_196 = tpu.memref_squeeze %dma_wait3A_195 : memref<1x200x64xf32, #tpu.memory_space<hbm>> -> memref<200x64xf32, #tpu.memory_space<hbm>>
          %dma_wait3A_197 = arith.constant 0 : i32
          %dma_wait3A_198 = arith.constant 0 : i32
          %dma_wait3A_199 = tpu.memref_slice %arg5[%mul3A_2, %dma_wait3A_197, %dma_wait3A_198] : memref<4096x200x64xf32, #tpu.memory_space<hbm>> -> memref<1x200x64xf32, #tpu.memory_space<hbm>>
          %dma_wait3A_200 = tpu.memref_squeeze %dma_wait3A_199 : memref<1x200x64xf32, #tpu.memory_space<hbm>> -> memref<200x64xf32, #tpu.memory_space<hbm>>
          tpu.wait_dma2 semaphore(%arg17 : memref<!tpu.dma_semaphore, #tpu.memory_space<semaphore_mem>>) src(%arg9 : memref<200x64xf32, #tpu.memory_space<vmem>>) dst(%dma_wait3A_200 : memref<200x64xf32, #tpu.memory_space<hbm>>)
        } else {
        }
        %dma_start3A_187 = arith.constant 0 : i32
        %dma_start3A_188 = tpu.memref_slice %arg6[%sub3A_145, %dma_start3A_187] : memref<128x200xi32, #tpu.memory_space<vmem>> -> memref<1x200xi32, #tpu.memory_space<vmem>>
        %dma_start3A_189 = tpu.memref_squeeze %dma_start3A_188 : memref<1x200xi32, #tpu.memory_space<vmem>> -> memref<200xi32, #tpu.memory_space<vmem>>
        %dma_start3A_190 = arith.constant 0 : i32
        %dma_start3A_191 = arith.constant 0 : i32
        %dma_start3A_192 = tpu.memref_slice %arg3[%dma_start3A_190, %dma_start3A_191] : memref<1000000x64xf32, #tpu.memory_space<hbm>> -> memref<1000000x64xf32, #tpu.memory_space<hbm>>
        tpu.enqueue_indirect_dma source(%dma_start3A_192 : memref<1000000x64xf32, #tpu.memory_space<hbm>>) target(%arg9 : memref<200x64xf32, #tpu.memory_space<vmem>>) offsets(%dma_start3A_189 : memref<200xi32, #tpu.memory_space<vmem>>) semaphore(%arg13 : memref<!tpu.dma_semaphore, #tpu.memory_space<semaphore_mem>>)
      } else {
      }
      %mul3A_151 = arith.constant 4 : i32
      %mul3A_152 = arith.muli %scan3A_59, %mul3A_151 : i32
      %add3A_153 = arith.constant 3 : i32
      %add3A_154 = arith.addi %mul3A_152, %add3A_153 : i32
      %dma_wait3A_155 = arith.constant 0 : i32
      %dma_wait3A_156 = arith.constant 0 : i32
      %dma_wait3A_157 = tpu.memref_slice %arg6[%dma_wait3A_155, %dma_wait3A_156] : memref<128x200xi32, #tpu.memory_space<vmem>> -> memref<1x200xi32, #tpu.memory_space<vmem>>
      %dma_wait3A_158 = tpu.memref_squeeze %dma_wait3A_157 : memref<1x200xi32, #tpu.memory_space<vmem>> -> memref<200xi32, #tpu.memory_space<vmem>>
      %dma_wait3A_159 = arith.constant 0 : i32
      %dma_wait3A_160 = arith.constant 0 : i32
      %dma_wait3A_161 = tpu.memref_slice %arg3[%dma_wait3A_159, %dma_wait3A_160] : memref<1000000x64xf32, #tpu.memory_space<hbm>> -> memref<1000000x64xf32, #tpu.memory_space<hbm>>
      tpu.wait_indirect_dma semaphore(%arg15 : memref<!tpu.dma_semaphore, #tpu.memory_space<semaphore_mem>>) src(%dma_wait3A_161 : memref<1000000x64xf32, #tpu.memory_space<hbm>>) dst(%arg11 : memref<200x64xf32, #tpu.memory_space<vmem>>)
      %parallel_loop3A_162 = arith.constant 0 : i32
      %parallel_loop3A_163 = arith.constant 200 : i32
      %parallel_loop3A_164 = arith.constant 1 : i32
      scf.for %parallel_loop3A_183 = %parallel_loop3A_162 to %parallel_loop3A_163 step %parallel_loop3A_164  : i32 {
        %parallel_loop3A_184 = arith.index_cast %parallel_loop3A_183 : i32 to index
        %parallel_loop3A_185 = arith.constant 0 : index
        %parallel_loop3A_186 = tpu.vector_load %arg11[%parallel_loop3A_184, %parallel_loop3A_185] {strides = array<i32>} : memref<200x64xf32, #tpu.memory_space<vmem>>, vector<1x16xf32>,
        %parallel_loop3A_187 = vector.shape_cast %parallel_loop3A_186 : vector<1x16xf32> to vector<16xf32>
        %parallel_loop3A_188 = arith.index_cast %parallel_loop3A_183 : i32 to index
        %parallel_loop3A_189 = arith.constant 0 : index
        %parallel_loop3A_190 = tpu.vector_load %arg7[%parallel_loop3A_188, %parallel_loop3A_189] {strides = array<i32>} : memref<200x64xf32, #tpu.memory_space<vmem>>, vector<1x16xf32>,
        %parallel_loop3A_191 = vector.shape_cast %parallel_loop3A_190 : vector<1x16xf32> to vector<16xf32>
        %parallel_loop3A_192 = arith.addf %parallel_loop3A_187, %parallel_loop3A_191 : vector<16xf32>
        %parallel_loop3A_193 = arith.index_cast %parallel_loop3A_183 : i32 to index
        %parallel_loop3A_194 = arith.constant 0 : index
        %parallel_loop3A_195 = tpu.vector_load %arg11[%parallel_loop3A_193, %parallel_loop3A_194] {strides = array<i32>} : memref<200x64xf32, #tpu.memory_space<vmem>>, vector<1x16xf32>,
        %parallel_loop3A_196 = vector.shape_cast %parallel_loop3A_195 : vector<1x16xf32> to vector<16xf32>
        %parallel_loop3A_197 = vector.shape_cast %parallel_loop3A_192 : vector<16xf32> to vector<1x16xf32>
        tpu.vector_store %arg11[%parallel_loop3A_193, %parallel_loop3A_194], %parallel_loop3A_197 {strides = array<i32>} : memref<200x64xf32, #tpu.memory_space<vmem>>, vector<1x16xf32>,
        %parallel_loop3A_198 = arith.index_cast %parallel_loop3A_183 : i32 to index
        %parallel_loop3A_199 = arith.constant 16 : index
        %parallel_loop3A_200 = tpu.vector_load %arg11[%parallel_loop3A_198, %parallel_loop3A_199] {strides = array<i32>} : memref<200x64xf32, #tpu.memory_space<vmem>>, vector<1x16xf32>,
        %parallel_loop3A_201 = vector.shape_cast %parallel_loop3A_200 : vector<1x16xf32> to vector<16xf32>
        %parallel_loop3A_202 = arith.index_cast %parallel_loop3A_183 : i32 to index
        %parallel_loop3A_203 = arith.constant 16 : index
        %parallel_loop3A_204 = tpu.vector_load %arg7[%parallel_loop3A_202, %parallel_loop3A_203] {strides = array<i32>} : memref<200x64xf32, #tpu.memory_space<vmem>>, vector<1x16xf32>,
        %parallel_loop3A_205 = vector.shape_cast %parallel_loop3A_204 : vector<1x16xf32> to vector<16xf32>
        %parallel_loop3A_206 = arith.addf %parallel_loop3A_201, %parallel_loop3A_205 : vector<16xf32>
        %parallel_loop3A_207 = arith.index_cast %parallel_loop3A_183 : i32 to index
        %parallel_loop3A_208 = arith.constant 16 : index
        %parallel_loop3A_209 = tpu.vector_load %arg11[%parallel_loop3A_207, %parallel_loop3A_208] {strides = array<i32>} : memref<200x64xf32, #tpu.memory_space<vmem>>, vector<1x16xf32>,
        %parallel_loop3A_210 = vector.shape_cast %parallel_loop3A_209 : vector<1x16xf32> to vector<16xf32>
        %parallel_loop3A_211 = vector.shape_cast %parallel_loop3A_206 : vector<16xf32> to vector<1x16xf32>
        tpu.vector_store %arg11[%parallel_loop3A_207, %parallel_loop3A_208], %parallel_loop3A_211 {strides = array<i32>} : memref<200x64xf32, #tpu.memory_space<vmem>>, vector<1x16xf32>,
        %parallel_loop3A_212 = arith.index_cast %parallel_loop3A_183 : i32 to index
        %parallel_loop3A_213 = arith.constant 32 : index
        %parallel_loop3A_214 = tpu.vector_load %arg11[%parallel_loop3A_212, %parallel_loop3A_213] {strides = array<i32>} : memref<200x64xf32, #tpu.memory_space<vmem>>, vector<1x16xf32>,
        %parallel_loop3A_215 = vector.shape_cast %parallel_loop3A_214 : vector<1x16xf32> to vector<16xf32>
        %parallel_loop3A_216 = arith.index_cast %parallel_loop3A_183 : i32 to index
        %parallel_loop3A_217 = arith.constant 32 : index
        %parallel_loop3A_218 = tpu.vector_load %arg7[%parallel_loop3A_216, %parallel_loop3A_217] {strides = array<i32>} : memref<200x64xf32, #tpu.memory_space<vmem>>, vector<1x16xf32>,
        %parallel_loop3A_219 = vector.shape_cast %parallel_loop3A_218 : vector<1x16xf32> to vector<16xf32>
        %parallel_loop3A_220 = arith.addf %parallel_loop3A_215, %parallel_loop3A_219 : vector<16xf32>
        %parallel_loop3A_221 = arith.index_cast %parallel_loop3A_183 : i32 to index
        %parallel_loop3A_222 = arith.constant 32 : index
        %parallel_loop3A_223 = tpu.vector_load %arg11[%parallel_loop3A_221, %parallel_loop3A_222] {strides = array<i32>} : memref<200x64xf32, #tpu.memory_space<vmem>>, vector<1x16xf32>,
        %parallel_loop3A_224 = vector.shape_cast %parallel_loop3A_223 : vector<1x16xf32> to vector<16xf32>
        %parallel_loop3A_225 = vector.shape_cast %parallel_loop3A_220 : vector<16xf32> to vector<1x16xf32>
        tpu.vector_store %arg11[%parallel_loop3A_221, %parallel_loop3A_222], %parallel_loop3A_225 {strides = array<i32>} : memref<200x64xf32, #tpu.memory_space<vmem>>, vector<1x16xf32>,
        %parallel_loop3A_226 = arith.index_cast %parallel_loop3A_183 : i32 to index
        %parallel_loop3A_227 = arith.constant 48 : index
        %parallel_loop3A_228 = tpu.vector_load %arg11[%parallel_loop3A_226, %parallel_loop3A_227] {strides = array<i32>} : memref<200x64xf32, #tpu.memory_space<vmem>>, vector<1x16xf32>,
        %parallel_loop3A_229 = vector.shape_cast %parallel_loop3A_228 : vector<1x16xf32> to vector<16xf32>
        %parallel_loop3A_230 = arith.index_cast %parallel_loop3A_183 : i32 to index
        %parallel_loop3A_231 = arith.constant 48 : index
        %parallel_loop3A_232 = tpu.vector_load %arg7[%parallel_loop3A_230, %parallel_loop3A_231] {strides = array<i32>} : memref<200x64xf32, #tpu.memory_space<vmem>>, vector<1x16xf32>,
        %parallel_loop3A_233 = vector.shape_cast %parallel_loop3A_232 : vector<1x16xf32> to vector<16xf32>
        %parallel_loop3A_234 = arith.addf %parallel_loop3A_229, %parallel_loop3A_233 : vector<16xf32>
        %parallel_loop3A_235 = arith.index_cast %parallel_loop3A_183 : i32 to index
        %parallel_loop3A_236 = arith.constant 48 : index
        %parallel_loop3A_237 = tpu.vector_load %arg11[%parallel_loop3A_235, %parallel_loop3A_236] {strides = array<i32>} : memref<200x64xf32, #tpu.memory_space<vmem>>, vector<1x16xf32>,
        %parallel_loop3A_238 = vector.shape_cast %parallel_loop3A_237 : vector<1x16xf32> to vector<16xf32>
        %parallel_loop3A_239 = vector.shape_cast %parallel_loop3A_234 : vector<16xf32> to vector<1x16xf32>
        tpu.vector_store %arg11[%parallel_loop3A_235, %parallel_loop3A_236], %parallel_loop3A_239 {strides = array<i32>} : memref<200x64xf32, #tpu.memory_space<vmem>>, vector<1x16xf32>,
      } {sc.loop_unroll_factor = 8 : i64, sc.parallel_access}
      %add3A_165 = arith.addi %mul3A_2, %add3A_154 : i32
      %dma_start3A_166 = arith.constant 0 : i32
      %dma_start3A_167 = arith.constant 0 : i32
      %dma_start3A_168 = tpu.memref_slice %arg5[%add3A_165, %dma_start3A_166, %dma_start3A_167] : memref<4096x200x64xf32, #tpu.memory_space<hbm>> -> memref<1x200x64xf32, #tpu.memory_space<hbm>>
      %dma_start3A_169 = tpu.memref_squeeze %dma_start3A_168 : memref<1x200x64xf32, #tpu.memory_space<hbm>> -> memref<200x64xf32, #tpu.memory_space<hbm>>
      %dma_start3A_170 = arith.constant 0 : i32
      %dma_start3A_171 = arith.constant 0 : i32
      %dma_start3A_172 = tpu.memref_slice %arg5[%add3A_165, %dma_start3A_170, %dma_start3A_171] : memref<4096x200x64xf32, #tpu.memory_space<hbm>> -> memref<1x200x64xf32, #tpu.memory_space<hbm>>
      %dma_start3A_173 = tpu.memref_squeeze %dma_start3A_172 : memref<1x200x64xf32, #tpu.memory_space<hbm>> -> memref<200x64xf32, #tpu.memory_space<hbm>>
      tpu.enqueue_dma source(%arg11 : memref<200x64xf32, #tpu.memory_space<vmem>>) target(%dma_start3A_173 : memref<200x64xf32, #tpu.memory_space<hbm>>) target_semaphore(%arg19 : memref<!tpu.dma_semaphore, #tpu.memory_space<semaphore_mem>>)
      %add3A_174 = arith.constant 4 : i32
      %add3A_175 = arith.addi %add3A_154, %add3A_174 : i32
      %sub3A_176 = arith.constant 1 : i32
      %sub3A_177 = arith.subi %add3A_175, %sub3A_176 : i32
      %lt3A_178 = arith.constant 128 : i32
      %lt3A_179 = arith.cmpi slt, %sub3A_177, %lt3A_178 : i32
      %convert_element_type3A_180 = arith.extui %lt3A_179 : i1 to i32
      %cond3A_181 = arith.constant 0 : i32
      %cond3A_182 = arith.cmpi ne, %convert_element_type3A_180, %cond3A_181 : i32
      scf.if %cond3A_182 {
        %ge3A = arith.constant 1 : i32
        %ge3A_183 = arith.cmpi sge, %add3A_154, %ge3A : i32
        %convert_element_type3A_184 = arith.extui %ge3A_183 : i1 to i32
        %cond3A_185 = arith.constant 0 : i32
        %cond3A_186 = arith.cmpi ne, %convert_element_type3A_184, %cond3A_185 : i32
        scf.if %cond3A_186 {
          %dma_wait3A_193 = arith.constant 0 : i32
          %dma_wait3A_194 = arith.constant 0 : i32
          %dma_wait3A_195 = tpu.memref_slice %arg5[%mul3A_2, %dma_wait3A_193, %dma_wait3A_194] : memref<4096x200x64xf32, #tpu.memory_space<hbm>> -> memref<1x200x64xf32, #tpu.memory_space<hbm>>
          %dma_wait3A_196 = tpu.memref_squeeze %dma_wait3A_195 : memref<1x200x64xf32, #tpu.memory_space<hbm>> -> memref<200x64xf32, #tpu.memory_space<hbm>>
          %dma_wait3A_197 = arith.constant 0 : i32
          %dma_wait3A_198 = arith.constant 0 : i32
          %dma_wait3A_199 = tpu.memref_slice %arg5[%mul3A_2, %dma_wait3A_197, %dma_wait3A_198] : memref<4096x200x64xf32, #tpu.memory_space<hbm>> -> memref<1x200x64xf32, #tpu.memory_space<hbm>>
          %dma_wait3A_200 = tpu.memref_squeeze %dma_wait3A_199 : memref<1x200x64xf32, #tpu.memory_space<hbm>> -> memref<200x64xf32, #tpu.memory_space<hbm>>
          tpu.wait_dma2 semaphore(%arg18 : memref<!tpu.dma_semaphore, #tpu.memory_space<semaphore_mem>>) src(%arg10 : memref<200x64xf32, #tpu.memory_space<vmem>>) dst(%dma_wait3A_200 : memref<200x64xf32, #tpu.memory_space<hbm>>)
        } else {
        }
        %dma_start3A_187 = arith.constant 0 : i32
        %dma_start3A_188 = tpu.memref_slice %arg6[%sub3A_177, %dma_start3A_187] : memref<128x200xi32, #tpu.memory_space<vmem>> -> memref<1x200xi32, #tpu.memory_space<vmem>>
        %dma_start3A_189 = tpu.memref_squeeze %dma_start3A_188 : memref<1x200xi32, #tpu.memory_space<vmem>> -> memref<200xi32, #tpu.memory_space<vmem>>
        %dma_start3A_190 = arith.constant 0 : i32
        %dma_start3A_191 = arith.constant 0 : i32
        %dma_start3A_192 = tpu.memref_slice %arg3[%dma_start3A_190, %dma_start3A_191] : memref<1000000x64xf32, #tpu.memory_space<hbm>> -> memref<1000000x64xf32, #tpu.memory_space<hbm>>
        tpu.enqueue_indirect_dma source(%dma_start3A_192 : memref<1000000x64xf32, #tpu.memory_space<hbm>>) target(%arg10 : memref<200x64xf32, #tpu.memory_space<vmem>>) offsets(%dma_start3A_189 : memref<200xi32, #tpu.memory_space<vmem>>) semaphore(%arg14 : memref<!tpu.dma_semaphore, #tpu.memory_space<semaphore_mem>>)
      } else {
      }
    }
    %scan3A_27 = arith.constant 32 : i32
    %dma_wait3A = arith.constant 0 : i32
    %dma_wait3A_28 = arith.constant 0 : i32
    %dma_wait3A_29 = tpu.memref_slice %arg5[%mul3A_2, %dma_wait3A, %dma_wait3A_28] : memref<4096x200x64xf32, #tpu.memory_space<hbm>> -> memref<1x200x64xf32, #tpu.memory_space<hbm>>
    %dma_wait3A_30 = tpu.memref_squeeze %dma_wait3A_29 : memref<1x200x64xf32, #tpu.memory_space<hbm>> -> memref<200x64xf32, #tpu.memory_space<hbm>>
    %dma_wait3A_31 = arith.constant 0 : i32
    %dma_wait3A_32 = arith.constant 0 : i32
    %dma_wait3A_33 = tpu.memref_slice %arg5[%mul3A_2, %dma_wait3A_31, %dma_wait3A_32] : memref<4096x200x64xf32, #tpu.memory_space<hbm>> -> memref<1x200x64xf32, #tpu.memory_space<hbm>>
    %dma_wait3A_34 = tpu.memref_squeeze %dma_wait3A_33 : memref<1x200x64xf32, #tpu.memory_space<hbm>> -> memref<200x64xf32, #tpu.memory_space<hbm>>
    tpu.wait_dma2 semaphore(%arg16 : memref<!tpu.dma_semaphore, #tpu.memory_space<semaphore_mem>>) src(%arg8 : memref<200x64xf32, #tpu.memory_space<vmem>>) dst(%dma_wait3A_34 : memref<200x64xf32, #tpu.memory_space<hbm>>)
    %dma_wait3A_35 = arith.constant 0 : i32
    %dma_wait3A_36 = arith.constant 0 : i32
    %dma_wait3A_37 = tpu.memref_slice %arg5[%mul3A_2, %dma_wait3A_35, %dma_wait3A_36] : memref<4096x200x64xf32, #tpu.memory_space<hbm>> -> memref<1x200x64xf32, #tpu.memory_space<hbm>>
    %dma_wait3A_38 = tpu.memref_squeeze %dma_wait3A_37 : memref<1x200x64xf32, #tpu.memory_space<hbm>> -> memref<200x64xf32, #tpu.memory_space<hbm>>
    %dma_wait3A_39 = arith.constant 0 : i32
    %dma_wait3A_40 = arith.constant 0 : i32
    %dma_wait3A_41 = tpu.memref_slice %arg5[%mul3A_2, %dma_wait3A_39, %dma_wait3A_40] : memref<4096x200x64xf32, #tpu.memory_space<hbm>> -> memref<1x200x64xf32, #tpu.memory_space<hbm>>
    %dma_wait3A_42 = tpu.memref_squeeze %dma_wait3A_41 : memref<1x200x64xf32, #tpu.memory_space<hbm>> -> memref<200x64xf32, #tpu.memory_space<hbm>>
    tpu.wait_dma2 semaphore(%arg17 : memref<!tpu.dma_semaphore, #tpu.memory_space<semaphore_mem>>) src(%arg9 : memref<200x64xf32, #tpu.memory_space<vmem>>) dst(%dma_wait3A_42 : memref<200x64xf32, #tpu.memory_space<hbm>>)
    %dma_wait3A_43 = arith.constant 0 : i32
    %dma_wait3A_44 = arith.constant 0 : i32
    %dma_wait3A_45 = tpu.memref_slice %arg5[%mul3A_2, %dma_wait3A_43, %dma_wait3A_44] : memref<4096x200x64xf32, #tpu.memory_space<hbm>> -> memref<1x200x64xf32, #tpu.memory_space<hbm>>
    %dma_wait3A_46 = tpu.memref_squeeze %dma_wait3A_45 : memref<1x200x64xf32, #tpu.memory_space<hbm>> -> memref<200x64xf32, #tpu.memory_space<hbm>>
    %dma_wait3A_47 = arith.constant 0 : i32
    %dma_wait3A_48 = arith.constant 0 : i32
    %dma_wait3A_49 = tpu.memref_slice %arg5[%mul3A_2, %dma_wait3A_47, %dma_wait3A_48] : memref<4096x200x64xf32, #tpu.memory_space<hbm>> -> memref<1x200x64xf32, #tpu.memory_space<hbm>>
    %dma_wait3A_50 = tpu.memref_squeeze %dma_wait3A_49 : memref<1x200x64xf32, #tpu.memory_space<hbm>> -> memref<200x64xf32, #tpu.memory_space<hbm>>
    tpu.wait_dma2 semaphore(%arg18 : memref<!tpu.dma_semaphore, #tpu.memory_space<semaphore_mem>>) src(%arg10 : memref<200x64xf32, #tpu.memory_space<vmem>>) dst(%dma_wait3A_50 : memref<200x64xf32, #tpu.memory_space<hbm>>)
    %dma_wait3A_51 = arith.constant 0 : i32
    %dma_wait3A_52 = arith.constant 0 : i32
    %dma_wait3A_53 = tpu.memref_slice %arg5[%mul3A_2, %dma_wait3A_51, %dma_wait3A_52] : memref<4096x200x64xf32, #tpu.memory_space<hbm>> -> memref<1x200x64xf32, #tpu.memory_space<hbm>>
    %dma_wait3A_54 = tpu.memref_squeeze %dma_wait3A_53 : memref<1x200x64xf32, #tpu.memory_space<hbm>> -> memref<200x64xf32, #tpu.memory_space<hbm>>
    %dma_wait3A_55 = arith.constant 0 : i32
    %dma_wait3A_56 = arith.constant 0 : i32
    %dma_wait3A_57 = tpu.memref_slice %arg5[%mul3A_2, %dma_wait3A_55, %dma_wait3A_56] : memref<4096x200x64xf32, #tpu.memory_space<hbm>> -> memref<1x200x64xf32, #tpu.memory_space<hbm>>
    %dma_wait3A_58 = tpu.memref_squeeze %dma_wait3A_57 : memref<1x200x64xf32, #tpu.memory_space<hbm>> -> memref<200x64xf32, #tpu.memory_space<hbm>>
    tpu.wait_dma2 semaphore(%arg19 : memref<!tpu.dma_semaphore, #tpu.memory_space<semaphore_mem>>) src(%arg11 : memref<200x64xf32, #tpu.memory_space<vmem>>) dst(%dma_wait3A_58 : memref<200x64xf32, #tpu.memory_space<hbm>>)
    return
  }
}

</mosaic_0001>

<sc_bundles>
// kernel: kernel.3.cloned.1.call-start
scs
__scs_entry_jumppad:
0x0: {  	(pc) =	sbr.rel $0x88, $3  }
0x1: {  	(tag) =	ssettag $0x0;
	lr =	simm.s32 $0x1  }
0x2: {  	[smem:$0x3F9E] =	sst lr;
	_ =	strace $0xD0000000  }
0x3: {  	_ = 	snop  }
0x4: {  	_ = 	snop  }
0x5: {  	_ = 	snop  }
0x6: {  	_ = 	snop  }
0x7: {  	_ = 	snop  }
__scs_overlays_trampoline_lowered:
0x8: {  	[smem:$0x3FAD] =	sst s0  }
0x9: {  	[smem:$0x3FAE] =	sst s1  }
0xa: {  	[smem:$0x3FAF] =	sst s2  }
0xb: {  	[smem:$0x3FB0] =	sst s3  }
0xc: {  	[smem:$0x3FB1] =	sst s4  }
0xd: {  	[smem:$0x3FB2] =	sst s5  }
0xe: {  	[smem:$0x3FB3] =	sst s6  }
0xf: {  	[smem:$0x3FB4] =	sst s7  }
0x10: {  	[smem:$0x3FB5] =	sst s8  }
0x11: {  	[smem:$0x3FB6] =	sst s9;
	s0 =	simm.s32 @!p0 $0x0  }
0x12: {  	s1 =	sld [smem:$0x3F9C];
	s0 =	simm.s32 @p0 $0x1  }
0x13: {  	[smem:$0x3FB7] =	sst s0;
	s0 =	simm.s32 @!p1 $0x0  }
0x14: {  	s2 =	sld [smem:$0x3F9B];
	s0 =	simm.s32 @p1 $0x1  }
0x15: {  	[smem:$0x3FB8] =	sst s0;
	s0 =	simm.s32 @!p2 $0x0  }
0x16: {  	s3 =	sld [smem:$0x3FDB];
	s0 =	simm.s32 @p2 $0x1  }
0x17: {  	s4 =	simm.s32 $0x1BF5;
	[smem:$0x3FBA] =	sst s0  }
0x18: {  	s0 =	sld [smem:$0x3F9D];
	_ =	swait.ge [sflag:s4], $0x0  }
0x19: {  	s7 =	sld [smem:$0x3F9E]  }
0x1a: {  	s8 =	sadd.s32 $0xFFFFE003, lr  }
0x1b: {  	s9 =	sadd.s32 $0xFFFFFEF7, lr;
	s5 =	simm.s32 $0xFFFFFFFF;
	p2 =	slt.u32 s8, $0xFFFFF086  }
0x1c: {  	p1 =	slt.u32 s9, $0xF7A;
	s5 =	simm.s32 @!p2 $0x0  }
0x1d: {  	s5 =	simm.s32 @p1 $0x1;
	p0 =	seq.s32 s7, s2  }
0x1e: {  	s7 =	smul.u32 @!p0 $0xF7A, s2;
	p2 =	seq.s32 @!p0 s5, $0x0  }
0x1f: {  	s9 =	smul.u32 $0xF7A, s1;
	s8 =	simm.s32 @!p0 $0x1BF5;
	p2 =	por !p2, p0  }
0x20: {  	[sflag:s8] =	ssyncset.s32 @!p0 $0xFFFFF086;
	s6 =	sadd.s32 @!p0 s3, s7;
	s7 =	simm.s32 @!p0 $0x108  }
0x21: {  	s3 =	sadd.s32 s3, s9;
	s6 =	sadd.s32 @!p0 $0x88, s6;
	s7 =	simm.s32 @p2 $0x1082  }
0x22: {  	[simem:s7], [sflag:s8] =	dma.local @!p0 [hbm:s6], $0xF7A  }
0x23: {  	s9 =	sor.u32 $0xD0000000, s2;
	s6 =	simm.s32 $0x108;
	_ =	swait.ge @!p0 [sflag:s8], $0x0  }
0x24: {  	s3 =	sadd.s32 $0x88, s3;
	s6 =	simm.s32 @!p1 $0x1082;
	[sflag:s4] =	ssyncset.s32 $0xFFFFF086  }
0x25: {  	[simem:s6], [sflag:s4] =	dma.local [hbm:s3], $0xF7A  }
0x26: {  	[smem:$0x3F9E] =	sst s1;
	(tag) =	ssettag s2;
	_ =	strace s9  }
0x27: {  	s1 =	sld [smem:$0x3FAE]  }
0x28: {  	s2 =	sld [smem:$0x3FAF]  }
0x29: {  	s4 =	sld [smem:$0x3FB1]  }
0x2a: {  	p0 =	seq.s32 s5, $0x0;
	s5 =	sld [smem:$0x3FB2]  }
0x2b: {  	s6 =	sld [smem:$0x3FB3]  }
0x2c: {  	s7 =	sld [smem:$0x3FB4]  }
0x2d: {  	s3 =	simm.s32 $0x108;
	s8 =	sld [smem:$0x3FB5]  }
0x2e: {  	s3 =	simm.s32 @!p0 $0x1082;
	s9 =	sld [smem:$0x3FB6]  }
0x2f: {  	lr =	sadd.s32 s0, s3;
	s0 =	sld [smem:$0x3FAD]  }
0x30: {  	s3 =	sld [smem:$0x3FB0]  }
0x31: {  	[smem:$0x3FB9] =	sst s10  }
0x32: {  	s10 =	sld [smem:$0x3FB7];
	_ =	sdelay $0x3  }
0x33: {  	p0 =	seq.s32 s10, $0x1;
	s10 =	sld [smem:$0x3FB9];
	_ =	sdelay $0x3  }
0x34: {  	[smem:$0x3FB9] =	sst s10  }
0x35: {  	s10 =	sld [smem:$0x3FB8];
	_ =	sdelay $0x3  }
0x36: {  	p1 =	seq.s32 s10, $0x1;
	s10 =	sld [smem:$0x3FB9];
	_ =	sdelay $0x3  }
0x37: {  	[smem:$0x3FB9] =	sst s10  }
0x38: {  	s10 =	sld [smem:$0x3FBA]  }
0x39: {  	_ = 	snop;
	(pc) =	sbr.ind lr, $3  }
0x3a: {  	_ = 	snop  }
0x3b: {  	_ = 	snop  }
0x3c: {  	p2 =	seq.s32 s10, $0x1;
	s10 =	sld [smem:$0x3FB9]  }
0x3d: {  	_ =	shalt  }
0x3e: {  	_ =	shalt  }
0x3f: {  	_ =	shalt  }
0x40: {  	_ =	shalt  }
0x41: {  	_ =	shalt  }
0x42: {  	_ =	shalt  }
0x43: {  	_ =	shalt  }
0x44: {  	_ =	shalt  }
0x45: {  	_ =	shalt  }
0x46: {  	_ =	shalt  }
0x47: {  	_ =	shalt  }
0x48: {  	_ =	shalt  }
0x49: {  	_ =	shalt  }
0x4a: {  	_ =	shalt  }
0x4b: {  	_ =	shalt  }
0x4c: {  	_ =	shalt  }
0x4d: {  	_ =	shalt  }
0x4e: {  	_ =	shalt  }
0x4f: {  	_ =	shalt  }
0x50: {  	_ =	shalt  }
0x51: {  	_ =	shalt  }
0x52: {  	_ =	shalt  }
0x53: {  	_ =	shalt  }
0x54: {  	_ =	shalt  }
0x55: {  	_ =	shalt  }
0x56: {  	_ =	shalt  }
0x57: {  	_ =	shalt  }
0x58: {  	_ =	shalt  }
0x59: {  	_ =	shalt  }
0x5a: {  	_ =	shalt  }
0x5b: {  	_ =	shalt  }
0x5c: {  	_ =	shalt  }
0x5d: {  	_ =	shalt  }
0x5e: {  	_ =	shalt  }
0x5f: {  	_ =	shalt  }
0x60: {  	_ =	shalt  }
0x61: {  	_ =	shalt  }
0x62: {  	_ =	shalt  }
0x63: {  	_ =	shalt  }
0x64: {  	_ =	shalt  }
0x65: {  	_ =	shalt  }
0x66: {  	_ =	shalt  }
0x67: {  	_ =	shalt  }
0x68: {  	_ =	shalt  }
0x69: {  	_ =	shalt  }
0x6a: {  	_ =	shalt  }
0x6b: {  	_ =	shalt  }
0x6c: {  	_ =	shalt  }
0x6d: {  	_ =	shalt  }
0x6e: {  	_ =	shalt  }
0x6f: {  	_ =	shalt  }
0x70: {  	_ =	shalt  }
0x71: {  	_ =	shalt  }
0x72: {  	_ =	shalt  }
0x73: {  	_ =	shalt  }
0x74: {  	_ =	shalt  }
0x75: {  	_ =	shalt  }
0x76: {  	_ =	shalt  }
0x77: {  	_ =	shalt  }
0x78: {  	_ =	shalt  }
0x79: {  	_ =	shalt  }
0x7a: {  	_ =	shalt  }
0x7b: {  	_ =	shalt  }
0x7c: {  	_ =	shalt  }
0x7d: {  	_ =	shalt  }
0x7e: {  	_ =	shalt  }
0x7f: {  	_ =	shalt  }
0x80: {  	_ =	shalt  }
0x81: {  	_ =	shalt  }
0x82: {  	_ =	shalt  }
0x83: {  	_ =	shalt  }
0x84: {  	_ =	shalt  }
0x85: {  	_ =	shalt  }
0x86: {  	_ =	shalt  }
0x87: {  	_ =	shalt  }
.Lfunc_end0:
.L_simem_size_0:
called_computation.1_lowered:
.L_overlay_start_0:
0x88: {  	s2 =	sld [smem:$0x3FD9]  }
0x89: {  	s3 =	sld [smem:$0x3FFE];
	_ =	sdelay $0x1  }
0x8a: {  	s1 =	srdreg.scid  }
0x8b: {  	s0 =	sand.u32 $0x1, s1  }
0x8c: {  	s17 =	sshll.u32 s0, $0xA;
	s2 =	sadd.s32 s3, s2  }
0x8d: {  	s2 =	sadd.s32 s2, s17  }
0x8e: {  	[smem:$0x3FC5] =	sst s2  }
0x8f: {  	_ = 	snop  }
0x90: {  	s2 =	sld [smem:$0x3FD0];
	(tm) =	ssettm $0x1  }
0x91: {  	s18 =	sld [smem:$0x3FFB];
	_ =	sdelay $0x3  }
0x92: {  	_ =	strace s18  }
0x93: {  	s3 =	sld [smem:$0x3FFC];
	_ =	sdelay $0x3  }
0x94: {  	_ =	strace s3  }
0x95: {  	s3 =	sld [smem:$0x3FFD];
	_ =	sdelay $0x3  }
0x96: {  	_ =	strace s3  }
0x97: {  	_ =	strace $0x8FFFFFFF  }
0x98: {  	s19 =	sld [smem:$0x3FDB];
	_ =	sdelay $0x1  }
0x99: {  	s4 =	simm.s32 $_scs_section_size  }
0x9a: {  	s5 =	simm.s32 $_size__tile_overlayer_lowered;
	s6 =	simm.s32 $_tile_overlayer_lowered  }
0x9b: {  	s22 =	simm.s32 $0x1BFF;
	s21 =	sshll.u32 s6, $0x1;
	s3 =	sadd.s32 s4, s19  }
0x9c: {  	s7 =	simm.s32 $0x0;
	s20 =	sshll.u32 s5, $0x1;
	s5 =	sadd.s32 s21, s3  }
0x9d: {  	[timem:s7], [sflag:s22] =	dma.local [hbm:s5], s20  }
0x9e: {  	_ =	swait.ge [sflag:s22], s20  }
0x9f: {  	s4 =	ssub.s32 $0x0, s20;
	[sflag:s22] =	ssyncset.done $0x0  }
0xa0: {  	[sflag:s22] =	ssyncadd.s32 s4;
	_ =	sdelay $0x1  }
0xa1: {  	s23 =	simm.s32 $0x1B8B  }
0xa2: {  	_ =	swait.ge [sflag:s23], $0x1  }
0xa3: {  	[sflag:s23] =	ssyncset.done $0x0  }
0xa4: {  	s25 =	simm.s32 $0x1B8E;
	s24 =	sld [smem:$0x3FFE];
	[sflag:s23] =	ssyncadd.s32 $0xFFFFFFFF  }
0xa5: {  	s26 =	simm.s32 $execute0_lowered;
	[smem:$0x3FD2] =	sst s25  }
0xa6: {  	s5 =	sshll.u32 s26, $0x1;
	_ =	strace $0x80000046;
	[dreg:$0x1] =	wrdreg $0xFFFFFFFF  }
0xa7: {  	s28 =	simm.s32 $_size_execute0_lowered;
	s3 =	sadd.s32 s3, s5;
	[dreg:$0x0] =	wrdreg $0x0  }
0xa8: {  	s5 =	sshll.u32 s28, $0x1;
	[dreg:$0x2] =	wrdreg s3  }
0xa9: {  	[dreg:$0x3] =	wrdreg s5  }
0xaa: {  	[dreg:$0x4] =	wrdreg $0xC0  }
0xab: {  	_ =	task [dreg:s7], $0x5FFFF  }
0xac: {  	[dreg:$0x1] =	wrdreg $0xFFFFFFFF  }
0xad: {  	[dreg:$0x0] =	wrdreg $0x60  }
0xae: {  	[dreg:$0x2] =	wrdreg s24  }
0xaf: {  	[dreg:$0x3] =	wrdreg s2  }
0xb0: {  	[dreg:$0x4] =	wrdreg $0x9  }
0xb1: {  	_ =	task.clear_ibuf [dreg:s7], $0x5FFFF;
	_ =	strace $0x90000046  }
0xb2: {  	s29 =	simm.s32 $0x9;
	_ =	strace $0x80000048  }
0xb3: {  	_ =	swait.ge [sflag:s29], $0x1  }
0xb4: {  	[sflag:s29] =	ssyncadd.s32 $0xFFFFFFFF  }
0xb5: {  	_ =	strace $0x90000048  }
0xb6: {  	_ =	sfence  }
0xb7: {  	s30 =	sld [smem:$0x0];
	_ =	sdelay $0x2  }
0xb8: {  	s31 =	sshll.u32 s1, $0xD;
	s1 =	sshrl.u32 s1, $0x2  }
0xb9: {  	s3 =	sand.u32 $0x4000, s31;
	s1 =	sadd.s32 s1, s30  }
0xba: {  	s0 =	sor.u32 s3, s0;
	s1 =	sshll.u32 s1, $0x11  }
0xbb: {  	s0 =	sor.u32 s1, s0  }
0xbc: {  	s0 =	sadd.s32 $0x8F2B, s0  }
0xbd: {  	[sflag:s0] =	ssyncadd.remote.s32 $0x1  }
0xbe: {  	_ =	sfence.sel $0xFFFF  }
0xbf: {  	[dreg:$0x0] =	wrdreg $0xFFFFFFFF;
	(pc) =	sbr.abs _section_cstart, $3  }
0xc0: {  	[dreg:$0x1] =	wrdreg $0xFFFFFFFF  }
0xc1: {  	_ =	task.clear_ibuf [dreg:s7], $0x2FFFF;
	_ =	strace $0x9FFFFFFF  }
0xc2: {  	(tm) =	ssettm $0x7FFFFFFF  }
0xc3: {  	_ =	shalt  }
tec
execute0_lowered:
.L_overlay_start_1:
0x0: {  	(tag) =	ssettag $0x1  }
0x1: {  	s0 =	srdreg.scid;
	s1 =	rddreg [dreg:$0x0]  }
0x2: {  	s3 =	stileid.u32;
	s2 =	rddreg [dreg:$0x1]  }
0x3: {  	s9 =	simm.s32 $0x9;
	s11 =	simm.s32 $0xC8;
	s12 =	simm.s32 $0x9600  }
0x4: {  	s13 =	simm.s32 $0xC800;
	s14 =	simm.s32 $0x190;
	s15 =	simm.s32 $0xFA00  }
0x5: {  	s16 =	simm.s32 $0x1;
	s17 =	simm.s32 $0x12C00;
	s18 =	simm.s32 $0x2  }
0x6: {  	s19 =	simm.s32 $0x3;
	s20 =	simm.s32 $0x4;
	s21 =	simm.s32 $0x5  }
0x7: {  	s22 =	simm.s32 $0x6;
	s23 =	simm.s32 $0x7;
	s0 =	sand.u32 $0x1, s0  }
0x8: {  	s24 =	simm.s32 $0x8;
	s4 =	sshll.u32 s3, $0x8;
	s5 =	sshll.u32 s0, $0x7  }
.Ltmp0:
0x9: {  	s25 =	simm.s32 $0x0;
	s4 =	sor.u32 s5, s4;
	(pc) =	sbr.rel .LBB2_1-.Ltmp0, $4  }
0xa: {  	s3 =	simm.s32 $0x0;
	s0 =	ssub.s32 $0x2, s0;
	s5 =	smul.u32 $0x19, s4  }
0xb: {  	s6 =	sadd.s32 $0x19C00, s1;
	[smem:$0x7FF] =	sst s3;
	s8 =	sshrl.u32 s0, $0x1  }
0xc: {  	_ =	strace $0x80000047;
	s0 =	ssub.s32 s0, s8;
	s7 =	sadd.s32 s5, s1  }
0xd: {  	s8 =	smax.u32 s0, $0x1;
	s5 =	sadd.s32 $0xF43000, s1;
	s7 =	sadd.s32 $0xC00, s7  }
.LBB2_12:
0xe: {  	_ =	swait.ge [sflag:s21], $0x3200  }
0xf: {  	[sflag:s21] =	ssyncset.done $0x0  }
0x10: {  	[sflag:s21] =	ssyncadd.s32 $0xFFFFCE00  }
0x11: {  	_ =	swait.ge [sflag:s22], $0x3200  }
0x12: {  	[sflag:s22] =	ssyncset.done $0x0  }
0x13: {  	s25 =	sadd.s32 $0x1, s25;
	[sflag:s22] =	ssyncadd.s32 $0xFFFFCE00  }
0x14: {  	p0 =	sne.s32 s25, s8;
	_ =	swait.ge [sflag:s23], $0x3200  }
.Ltmp1:
0x15: {  	[sflag:s23] =	ssyncset.done $0x0;
	(pc) =	sbr.rel @!p0 .LBB2_13-.Ltmp1, $4  }
0x16: {  	[sflag:s23] =	ssyncadd.s32 $0xFFFFCE00  }
0x17: {  	_ =	swait.ge [sflag:s24], $0x3200  }
0x18: {  	[sflag:s24] =	ssyncset.done $0x0  }
0x19: {  	[sflag:s24] =	ssyncadd.s32 $0xFFFFCE00  }
.LBB2_1:
0x1a: {  	[tilespmem:s3], [sflag:$0x9] =	stream.linear.gather [hbm4b:s7+s3], $0x6400, $0x38;
	[tilespmem:$0x15E00] =	vst v63  }
0x1b: {  	_ =	swait.ge [sflag:s9], $0x6400  }
0x1c: {  	[sflag:s9] =	ssyncset.done $0x0  }
0x1d: {  	s0 =	simm.s32 $0x6400;
	[sflag:s9] =	ssyncadd.s32 $0xFFFF9C00  }
0x1e: {  	[tilespmem:s0], [sflag:$0x9] =	stream.linear.gather [hbm4b:s6+s3], $0x3200, $0x38;
	[tilespmem:$0x15E00] =	vst v63  }
0x1f: {  	_ =	swait.ge [sflag:s9], $0x3200  }
0x20: {  	[sflag:s9] =	ssyncset.done $0x0  }
0x21: {  	[sflag:s9] =	ssyncadd.s32 $0xFFFFCE00  }
0x22: {  	[tilespmem:s12], [sflag:$0x1] =	stream.indirect.gather [hbm4b:s5+s11], $0x40, s3, s11, $0xb8;
	[tilespmem:$0x15E00] =	vst v63  }
0x23: {  	_ = 	snop  }
0x24: {  	[tilespmem:s13], [sflag:$0x2] =	stream.indirect.gather [hbm4b:s5+s11], $0x40, s11, s11, $0xb8;
	[tilespmem:$0x15E00] =	vst v63  }
0x25: {  	s26 =	simm.s32 $0x0  }
0x26: {  	[tilespmem:s15], [sflag:$0x3] =	stream.indirect.gather [hbm4b:s5+s11], $0x40, s14, s11, $0xb8;
	[tilespmem:$0x15E00] =	vst v63  }
.LBB2_2:
0x27: {  	_ =	swait.ge [sflag:s16], $0x3200  }
0x28: {  	[sflag:s16] =	ssyncset.done $0x0  }
0x29: {  	s28 =	simm.s32 $0x9700;
	[sflag:s16] =	ssyncadd.s32 $0xFFFFCE00  }
0x2a: {  	s29 =	simm.s32 $0x6500;
	v0 =	vld [tilespmem:s28+$0xC0]  }
0x2b: {  	v1 =	vld [tilespmem:s29+$0xC0]  }
0x2c: {  	v2 =	vld [tilespmem:s29+$0xFFFFFF00]  }
0x2d: {  	v3 =	vld [tilespmem:s28+$0xFFFFFF40]  }
0x2e: {  	v4 =	vld [tilespmem:s28+$0xFFFFFF80]  }
0x2f: {  	v6 =	vld [tilespmem:s29+$0xFFFFFF80]  }
0x30: {  	v7 =	vld [tilespmem:s28+$0xFFFFFFC0]  }
0x31: {  	v8 =	vld [tilespmem:s29+$0xFFFFFFC0]  }
0x32: {  	v9 =	vld [tilespmem:s28+$0x0]  }
0x33: {  	v10 =	vld [tilespmem:s29+$0x0]  }
0x34: {  	v11 =	vld [tilespmem:s29+$0x40]  }
0x35: {  	v60 =	vld [tilespmem:s28+$0xFFFFFFD0]  }
0x36: {  	v13 =	vld [tilespmem:s28+$0x10]  }
0x37: {  	v61 =	vld [tilespmem:s28+$0xFFFFFFE0]  }
0x38: {  	v62 =	vld [tilespmem:s28+$0x60];
	v0 =	vadd.f32 v1, v0  }
0x39: {  	v1 =	vld [tilespmem:s29+$0xFFFFFF40]  }
0x3a: {  	[tilespmem:s28+$0xC0] =	vst v0;
	v0 =	vld [tilespmem:s28+$0xD0]  }
0x3b: {  	v5 =	vld [tilespmem:s29+$0xD0]  }
0x3c: {  	v63 =	vld [tilespmem:s28+$0xFFFFFF30];
	v4 =	vadd.f32 v6, v4  }
0x3d: {  	v6 =	vld [tilespmem:s29+$0x80]  }
0x3e: {  	[tilespmem:s28+$0xFFFFFF80] =	vst v4;
	v4 =	vadd.f32 v10, v9;
	v10 =	vld [tilespmem:s28+$0xFFFFFF50];
	v1 =	vadd.f32 v1, v3  }
0x3f: {  	v3 =	vld [tilespmem:s28+$0x80]  }
0x40: {  	[tilespmem:s28+$0xFFFFFF40] =	vst v1;
	v0 =	vadd.f32 v5, v0;
	v5 =	vld [tilespmem:s28+$0x40]  }
0x41: {  	v1 =	vadd.f32 v8, v7;
	v8 =	vld [tilespmem:s29+$0xFFFFFF50]  }
0x42: {  	[tilespmem:s28+$0xD0] =	vst v0;
	v0 =	vld [tilespmem:s28+$0xE0]  }
0x43: {  	[tilespmem:s28+$0x0] =	vst v4;
	v12 =	vld [tilespmem:s29+$0xE0]  }
0x44: {  	v9 =	vld [tilespmem:s29+$0x10]  }
0x45: {  	v7 =	vld [tilespmem:s28+$0xFFFFFF00]  }
0x46: {  	[tilespmem:s28+$0xFFFFFFC0] =	vst v1;
	v1 =	vld [tilespmem:s29+$0xFFFFFF90]  }
0x47: {  	v4 =	vld [tilespmem:s29+$0xFFFFFFD0];
	v8 =	vadd.f32 v8, v10  }
0x48: {  	v5 =	vadd.f32 v11, v5;
	v11 =	vld [tilespmem:s28+$0xFFFFFF90];
	v0 =	vadd.f32 v12, v0  }
0x49: {  	v10 =	vld [tilespmem:s28+$0x90];
	[tilespmem:s28+$0xFFFFFF50] =	vst v8  }
0x4a: {  	v8 =	vld [tilespmem:s29+$0xFFFFFF60];
	[tilespmem:s28+$0xE0] =	vst v0;
	v0 =	vadd.f32 v2, v7  }
0x4b: {  	[tilespmem:s28+$0x40] =	vst v5;
	v7 =	vld [tilespmem:s28+$0xF0];
	v2 =	vadd.f32 v6, v3  }
0x4c: {  	v5 =	vld [tilespmem:s29+$0xF0];
	[tilespmem:s28+$0xFFFFFF00] =	vst v0  }
0x4d: {  	v1 =	vadd.f32 v1, v11;
	[tilespmem:s28+$0x80] =	vst v2;
	v2 =	vld [tilespmem:s28+$0xFFFFFF10]  }
0x4e: {  	v3 =	vld [tilespmem:s29+$0xFFFFFF10]  }
0x4f: {  	v0 =	vld [tilespmem:s29+$0x50];
	[tilespmem:s28+$0xFFFFFF90] =	vst v1;
	v1 =	vadd.f32 v9, v13  }
0x50: {  	v4 =	vadd.f32 v4, v60;
	v6 =	vld [tilespmem:s29+$0x90]  }
0x51: {  	v9 =	vld [tilespmem:s29+$0xFFFFFFA0];
	[tilespmem:s28+$0x10] =	vst v1  }
0x52: {  	[tilespmem:s28+$0xFFFFFFD0] =	vst v4;
	v4 =	vld [tilespmem:s29+$0x20]  }
0x53: {  	v5 =	vadd.f32 v5, v7;
	v7 =	vld [tilespmem:s28+$0x30];
	v2 =	vadd.f32 v3, v2  }
0x54: {  	v3 =	vld [tilespmem:s28+$0x50]  }
0x55: {  	[tilespmem:s28+$0xFFFFFF10] =	vst v2;
	v2 =	vld [tilespmem:s28+$0xFFFFFF20]  }
0x56: {  	v11 =	vld [tilespmem:s29+$0xFFFFFF20]  }
0x57: {  	v1 =	vadd.f32 v6, v10;
	v6 =	vld [tilespmem:s28+$0xFFFFFF60]  }
0x58: {  	v10 =	vld [tilespmem:s28+$0xFFFFFFA0];
	[tilespmem:s28+$0xF0] =	vst v5  }
0x59: {  	v5 =	vld [tilespmem:s28+$0x70];
	[tilespmem:s28+$0x90] =	vst v1;
	v0 =	vadd.f32 v0, v3  }
0x5a: {  	v1 =	vld [tilespmem:s29+$0xA0]  }
0x5b: {  	v3 =	vld [tilespmem:s29+$0xFFFFFFE0];
	[tilespmem:s28+$0x50] =	vst v0;
	v2 =	vadd.f32 v11, v2  }
0x5c: {  	v0 =	vld [tilespmem:s29+$0x60]  }
0x5d: {  	[tilespmem:s28+$0xFFFFFF20] =	vst v2;
	v2 =	vadd.f32 v8, v6;
	v6 =	vld [tilespmem:s28+$0xA0]  }
0x5e: {  	v11 =	vld [tilespmem:s28+$0x20]  }
0x5f: {  	v8 =	vadd.f32 v9, v10;
	v9 =	vld [tilespmem:s28+$0xFFFFFFB0]  }
0x60: {  	v10 =	vld [tilespmem:s29+$0xFFFFFF30];
	[tilespmem:s28+$0xFFFFFF60] =	vst v2  }
0x61: {  	v2 =	vadd.f32 v3, v61;
	[tilespmem:s28+$0xFFFFFFA0] =	vst v8;
	v8 =	vld [tilespmem:s28+$0xFFFFFFF0]  }
0x62: {  	v14 =	vld [tilespmem:s29+$0xFFFFFF70];
	v6 =	vadd.f32 v1, v6  }
0x63: {  	v3 =	vadd.f32 v4, v11;
	v4 =	vld [tilespmem:s29+$0xFFFFFFB0];
	[tilespmem:s28+$0xFFFFFFE0] =	vst v2  }
0x64: {  	v0 =	vadd.f32 v0, v62;
	[tilespmem:s28+$0xA0] =	vst v6;
	v6 =	vld [tilespmem:s28+$0xFFFFFF70]  }
0x65: {  	v2 =	vld [tilespmem:s29+$0xFFFFFFF0];
	[tilespmem:s28+$0x20] =	vst v3  }
0x66: {  	[tilespmem:s28+$0x60] =	vst v0;
	v3 =	vld [tilespmem:s29+$0x30]  }
0x67: {  	v1 =	vld [tilespmem:s29+$0x70];
	v10 =	vadd.f32 v10, v63  }
0x68: {  	v0 =	vld [tilespmem:s29+$0xB0]  }
0x69: {  	s1 =	simm.s32 $0x0;
	s0 =	simm.s32 $0x9900;
	[tilespmem:s28+$0xFFFFFF30] =	vst v10;
	v10 =	vadd.f32 v14, v6;
	v6 =	vld [tilespmem:s28+$0xB0]  }
.LBB2_3:
0x6a: {  	v11 =	vld [tilespmem:s0+$0xC0];
	v4 =	vadd.f32 v4, v9;
	s29 =	sadd.s32 $0x200, s29  }
0x6b: {  	s1 =	sadd.s32 $0x8, s1;
	v9 =	vld [tilespmem:s29+$0xC0];
	[tilespmem:s28+$0xFFFFFF70] =	vst v10;
	v2 =	vadd.f32 v2, v8  }
0x6c: {  	p0 =	slt.u32 s1, $0xC0;
	v8 =	vld [tilespmem:s29+$0xFFFFFF00];
	[tilespmem:s28+$0xFFFFFFB0] =	vst v4;
	v3 =	vadd.f32 v3, v7  }
0x6d: {  	v4 =	vld [tilespmem:s0+$0xFFFFFF40];
	[tilespmem:s28+$0xFFFFFFF0] =	vst v2;
	v1 =	vadd.f32 v1, v5  }
0x6e: {  	v2 =	vld [tilespmem:s29+$0xFFFFFF40];
	[tilespmem:s28+$0x30] =	vst v3;
	v0 =	vadd.f32 v0, v6  }
0x6f: {  	v3 =	vld [tilespmem:s0+$0xFFFFFF80];
	[tilespmem:s28+$0x70] =	vst v1  }
0x70: {  	v1 =	vld [tilespmem:s29+$0xFFFFFF80];
	v5 =	vadd.f32 v9, v11;
	[tilespmem:s28+$0xB0] =	vst v0;
	s28 =	smov.u32 s0  }
0x71: {  	v0 =	vld [tilespmem:s0+$0xFFFFFFC0]  }
0x72: {  	[tilespmem:s0+$0xC0] =	vst v5;
	v5 =	vld [tilespmem:s0+$0xD0]  }
0x73: {  	v2 =	vadd.f32 v2, v4;
	v4 =	vld [tilespmem:s29+$0xD0]  }
0x74: {  	v6 =	vld [tilespmem:s29+$0xFFFFFFC0]  }
0x75: {  	[tilespmem:s0+$0xFFFFFF40] =	vst v2;
	v1 =	vadd.f32 v1, v3;
	v2 =	vld [tilespmem:s0+$0x0]  }
0x76: {  	v3 =	vld [tilespmem:s29+$0x0]  }
0x77: {  	[tilespmem:s0+$0xFFFFFF80] =	vst v1;
	v1 =	vld [tilespmem:s0+$0x40]  }
0x78: {  	v7 =	vld [tilespmem:s29+$0x40];
	v4 =	vadd.f32 v4, v5  }
0x79: {  	v0 =	vadd.f32 v6, v0;
	v5 =	vld [tilespmem:s0+$0x80]  }
0x7a: {  	[tilespmem:s0+$0xD0] =	vst v4;
	v4 =	vld [tilespmem:s0+$0xE0]  }
0x7b: {  	[tilespmem:s0+$0xFFFFFFC0] =	vst v0;
	v0 =	vadd.f32 v3, v2;
	v2 =	vld [tilespmem:s29+$0xE0]  }
0x7c: {  	v3 =	vld [tilespmem:s29+$0x80]  }
0x7d: {  	v6 =	vld [tilespmem:s0+$0xFFFFFF00];
	[tilespmem:s0+$0x0] =	vst v0;
	v0 =	vadd.f32 v7, v1  }
0x7e: {  	v1 =	vld [tilespmem:s29+$0xFFFFFF50]  }
0x7f: {  	v7 =	vld [tilespmem:s29+$0xFFFFFF90];
	[tilespmem:s0+$0x40] =	vst v0  }
0x80: {  	v0 =	vld [tilespmem:s29+$0xFFFFFFD0];
	v2 =	vadd.f32 v2, v4  }
0x81: {  	v4 =	vld [tilespmem:s29+$0x10];
	v3 =	vadd.f32 v3, v5  }
0x82: {  	v5 =	vadd.f32 v8, v6;
	[tilespmem:s0+$0xE0] =	vst v2;
	v2 =	vld [tilespmem:s0+$0xF0]  }
0x83: {  	[tilespmem:s0+$0x80] =	vst v3;
	v3 =	vld [tilespmem:s29+$0xF0]  }
0x84: {  	[tilespmem:s0+$0xFFFFFF00] =	vst v5;
	v5 =	vld [tilespmem:s29+$0x50]  }
0x85: {  	v6 =	vld [tilespmem:s29+$0xFFFFFF10]  }
0x86: {  	v8 =	vld [tilespmem:s29+$0x90]  }
0x87: {  	v9 =	vld [tilespmem:s0+$0xFFFFFF10]  }
0x88: {  	v10 =	vld [tilespmem:s0+$0xFFFFFF50];
	v2 =	vadd.f32 v3, v2  }
0x89: {  	v3 =	vld [tilespmem:s0+$0xFFFFFF90]  }
0x8a: {  	v11 =	vld [tilespmem:s0+$0xFFFFFFD0];
	[tilespmem:s0+$0xF0] =	vst v2  }
0x8b: {  	v2 =	vld [tilespmem:s0+$0x10]  }
0x8c: {  	v6 =	vadd.f32 v6, v9;
	v9 =	vld [tilespmem:s0+$0x50]  }
0x8d: {  	v1 =	vadd.f32 v1, v10;
	v10 =	vld [tilespmem:s0+$0x90]  }
0x8e: {  	[tilespmem:s0+$0xFFFFFF10] =	vst v6;
	v6 =	vld [tilespmem:s0+$0xFFFFFF20];
	v3 =	vadd.f32 v7, v3  }
0x8f: {  	v7 =	vld [tilespmem:s29+$0xFFFFFF20];
	[tilespmem:s0+$0xFFFFFF50] =	vst v1;
	v0 =	vadd.f32 v0, v11  }
0x90: {  	v1 =	vld [tilespmem:s29+$0xFFFFFF60];
	[tilespmem:s0+$0xFFFFFF90] =	vst v3;
	v2 =	vadd.f32 v4, v2  }
0x91: {  	v3 =	vld [tilespmem:s29+$0xFFFFFFA0];
	[tilespmem:s0+$0xFFFFFFD0] =	vst v0;
	v0 =	vadd.f32 v5, v9  }
0x92: {  	v4 =	vld [tilespmem:s29+$0xFFFFFFE0];
	[tilespmem:s0+$0x10] =	vst v2;
	v2 =	vadd.f32 v8, v10  }
0x93: {  	v5 =	vld [tilespmem:s29+$0x20];
	[tilespmem:s0+$0x50] =	vst v0  }
0x94: {  	v0 =	vadd.f32 v7, v6;
	v6 =	vld [tilespmem:s29+$0x60];
	[tilespmem:s0+$0x90] =	vst v2  }
0x95: {  	v7 =	vld [tilespmem:s29+$0xA0]  }
0x96: {  	[tilespmem:s0+$0xFFFFFF20] =	vst v0;
	v0 =	vld [tilespmem:s0+$0xFFFFFF60]  }
0x97: {  	v2 =	vld [tilespmem:s0+$0xFFFFFFA0]  }
0x98: {  	v8 =	vld [tilespmem:s0+$0xFFFFFFE0]  }
0x99: {  	v9 =	vld [tilespmem:s0+$0x20]  }
0x9a: {  	v10 =	vld [tilespmem:s0+$0x60]  }
0x9b: {  	v0 =	vadd.f32 v1, v0;
	v1 =	vld [tilespmem:s0+$0xA0]  }
0x9c: {  	v11 =	vld [tilespmem:s29+$0xFFFFFF30];
	v2 =	vadd.f32 v3, v2  }
0x9d: {  	v12 =	vld [tilespmem:s0+$0xFFFFFF30];
	[tilespmem:s0+$0xFFFFFF60] =	vst v0;
	v0 =	vadd.f32 v4, v8  }
0x9e: {  	v13 =	vld [tilespmem:s29+$0xFFFFFF70];
	[tilespmem:s0+$0xFFFFFFA0] =	vst v2;
	v3 =	vadd.f32 v5, v9  }
0x9f: {  	v4 =	vld [tilespmem:s29+$0xFFFFFFB0];
	[tilespmem:s0+$0xFFFFFFE0] =	vst v0;
	v0 =	vadd.f32 v6, v10  }
0xa0: {  	v2 =	vld [tilespmem:s29+$0xFFFFFFF0];
	[tilespmem:s0+$0x20] =	vst v3;
	v5 =	vadd.f32 v7, v1  }
0xa1: {  	v3 =	vld [tilespmem:s29+$0x30];
	[tilespmem:s0+$0x60] =	vst v0  }
0xa2: {  	v6 =	vadd.f32 v11, v12;
	v1 =	vld [tilespmem:s29+$0x70];
	[tilespmem:s0+$0xA0] =	vst v5  }
0xa3: {  	v0 =	vld [tilespmem:s29+$0xB0]  }
0xa4: {  	[tilespmem:s0+$0xFFFFFF30] =	vst v6;
	v6 =	vld [tilespmem:s0+$0xFFFFFF70]  }
.Ltmp2:
0xa5: {  	v9 =	vld [tilespmem:s0+$0xFFFFFFB0];
	(pc) =	sbr.rel @p0 .LBB2_3-.Ltmp2, $4  }
0xa6: {  	v8 =	vld [tilespmem:s0+$0xFFFFFFF0]  }
0xa7: {  	v7 =	vld [tilespmem:s0+$0x30]  }
0xa8: {  	v5 =	vld [tilespmem:s0+$0x70]  }
0xa9: {  	s0 =	sadd.s32 $0x200, s0;
	v10 =	vadd.f32 v13, v6;
	v6 =	vld [tilespmem:s28+$0xB0]  }
0xaa: {  	v4 =	vadd.f32 v4, v9  }
0xab: {  	[tilespmem:s28+$0xFFFFFF70] =	vst v10;
	v2 =	vadd.f32 v2, v8  }
0xac: {  	s29 =	sshll.u32 s26, $0x2;
	[tilespmem:s28+$0xFFFFFFB0] =	vst v4;
	v3 =	vadd.f32 v3, v7  }
0xad: {  	s0 =	sadd.s32 s4, s29;
	[tilespmem:s28+$0xFFFFFFF0] =	vst v2;
	v1 =	vadd.f32 v1, v5  }
0xae: {  	s0 =	smul.u32 $0x640, s0;
	[tilespmem:s28+$0x30] =	vst v3;
	v0 =	vadd.f32 v0, v6  }
0xaf: {  	[tilespmem:s28+$0x70] =	vst v1  }
0xb0: {  	p0 =	seq.s32 s26, $0x0;
	s0 =	sadd.s32 s2, s0;
	[tilespmem:s28+$0xB0] =	vst v0  }
0xb1: {  	[hbm4b:s0+s3] =	stream.linear.scatter [tilespmem:s12], [sflag:$0x5], $0x3200, $0x38;
	[tilespmem:$0x15E00] =	vst v63  }
0xb2: {  	s28 =	sshllo.u32 s26, $0x2;
	s0 =	simm.s32 @!p0 $0x8  }
0xb3: {  	s1 =	smul.u32 $0x320, s28;
	_ =	swait.ge @!p0 [sflag:s0], $0x3200  }
0xb4: {  	[sflag:s0] =	ssyncset.done @!p0 $0x0  }
0xb5: {  	s10 =	sshra.s32 s1, $0x2;
	[sflag:s0] =	ssyncadd.s32 @!p0 $0xFFFFCE00  }
0xb6: {  	[tilespmem:s17], [sflag:$0x4] =	stream.indirect.gather [hbm4b:s5+s11], $0x40, s10, s11, $0xb8;
	[tilespmem:$0x15E00] =	vst v63  }
0xb7: {  	_ =	swait.ge [sflag:s18], $0x3200  }
0xb8: {  	[sflag:s18] =	ssyncset.done $0x0  }
0xb9: {  	s30 =	simm.s32 $0xC900;
	[sflag:s18] =	ssyncadd.s32 $0xFFFFCE00  }
0xba: {  	s31 =	simm.s32 $0x6500;
	v0 =	vld [tilespmem:s30+$0xC0]  }
0xbb: {  	v1 =	vld [tilespmem:s31+$0xC0]  }
0xbc: {  	v2 =	vld [tilespmem:s31+$0xFFFFFF00]  }
0xbd: {  	v3 =	vld [tilespmem:s30+$0xFFFFFF40]  }
0xbe: {  	v4 =	vld [tilespmem:s30+$0xFFFFFF80]  }
0xbf: {  	v6 =	vld [tilespmem:s31+$0xFFFFFF80]  }
0xc0: {  	v7 =	vld [tilespmem:s30+$0xFFFFFFC0]  }
0xc1: {  	v8 =	vld [tilespmem:s31+$0xFFFFFFC0]  }
0xc2: {  	v9 =	vld [tilespmem:s30+$0x0]  }
0xc3: {  	v10 =	vld [tilespmem:s31+$0x0]  }
0xc4: {  	v11 =	vld [tilespmem:s31+$0x40]  }
0xc5: {  	v60 =	vld [tilespmem:s30+$0xFFFFFFD0]  }
0xc6: {  	v13 =	vld [tilespmem:s30+$0x10]  }
0xc7: {  	v61 =	vld [tilespmem:s30+$0xFFFFFFE0]  }
0xc8: {  	v62 =	vld [tilespmem:s30+$0x60];
	v0 =	vadd.f32 v1, v0  }
0xc9: {  	v1 =	vld [tilespmem:s31+$0xFFFFFF40]  }
0xca: {  	[tilespmem:s30+$0xC0] =	vst v0;
	v0 =	vld [tilespmem:s30+$0xD0]  }
0xcb: {  	v5 =	vld [tilespmem:s31+$0xD0]  }
0xcc: {  	v63 =	vld [tilespmem:s30+$0xFFFFFF30];
	v4 =	vadd.f32 v6, v4  }
0xcd: {  	v6 =	vld [tilespmem:s31+$0x80]  }
0xce: {  	[tilespmem:s30+$0xFFFFFF80] =	vst v4;
	v4 =	vadd.f32 v10, v9;
	v10 =	vld [tilespmem:s30+$0xFFFFFF50];
	v1 =	vadd.f32 v1, v3  }
0xcf: {  	v3 =	vld [tilespmem:s30+$0x80]  }
0xd0: {  	[tilespmem:s30+$0xFFFFFF40] =	vst v1;
	v0 =	vadd.f32 v5, v0;
	v5 =	vld [tilespmem:s30+$0x40]  }
0xd1: {  	v1 =	vadd.f32 v8, v7;
	v8 =	vld [tilespmem:s31+$0xFFFFFF50]  }
0xd2: {  	[tilespmem:s30+$0xD0] =	vst v0;
	v0 =	vld [tilespmem:s30+$0xE0]  }
0xd3: {  	[tilespmem:s30+$0x0] =	vst v4;
	v12 =	vld [tilespmem:s31+$0xE0]  }
0xd4: {  	v9 =	vld [tilespmem:s31+$0x10]  }
0xd5: {  	v7 =	vld [tilespmem:s30+$0xFFFFFF00]  }
0xd6: {  	[tilespmem:s30+$0xFFFFFFC0] =	vst v1;
	v1 =	vld [tilespmem:s31+$0xFFFFFF90]  }
0xd7: {  	v4 =	vld [tilespmem:s31+$0xFFFFFFD0];
	v8 =	vadd.f32 v8, v10  }
0xd8: {  	v5 =	vadd.f32 v11, v5;
	v11 =	vld [tilespmem:s30+$0xFFFFFF90];
	v0 =	vadd.f32 v12, v0  }
0xd9: {  	v10 =	vld [tilespmem:s30+$0x90];
	[tilespmem:s30+$0xFFFFFF50] =	vst v8  }
0xda: {  	v8 =	vld [tilespmem:s31+$0xFFFFFF60];
	[tilespmem:s30+$0xE0] =	vst v0;
	v0 =	vadd.f32 v2, v7  }
0xdb: {  	[tilespmem:s30+$0x40] =	vst v5;
	v7 =	vld [tilespmem:s30+$0xF0];
	v2 =	vadd.f32 v6, v3  }
0xdc: {  	v5 =	vld [tilespmem:s31+$0xF0];
	[tilespmem:s30+$0xFFFFFF00] =	vst v0  }
0xdd: {  	v1 =	vadd.f32 v1, v11;
	[tilespmem:s30+$0x80] =	vst v2;
	v2 =	vld [tilespmem:s30+$0xFFFFFF10]  }
0xde: {  	v3 =	vld [tilespmem:s31+$0xFFFFFF10]  }
0xdf: {  	v0 =	vld [tilespmem:s31+$0x50];
	[tilespmem:s30+$0xFFFFFF90] =	vst v1;
	v1 =	vadd.f32 v9, v13  }
0xe0: {  	v4 =	vadd.f32 v4, v60;
	v6 =	vld [tilespmem:s31+$0x90]  }
0xe1: {  	v9 =	vld [tilespmem:s31+$0xFFFFFFA0];
	[tilespmem:s30+$0x10] =	vst v1  }
0xe2: {  	[tilespmem:s30+$0xFFFFFFD0] =	vst v4;
	v4 =	vld [tilespmem:s31+$0x20]  }
0xe3: {  	v5 =	vadd.f32 v5, v7;
	v7 =	vld [tilespmem:s30+$0x30];
	v2 =	vadd.f32 v3, v2  }
0xe4: {  	v3 =	vld [tilespmem:s30+$0x50]  }
0xe5: {  	[tilespmem:s30+$0xFFFFFF10] =	vst v2;
	v2 =	vld [tilespmem:s30+$0xFFFFFF20]  }
0xe6: {  	v11 =	vld [tilespmem:s31+$0xFFFFFF20]  }
0xe7: {  	v1 =	vadd.f32 v6, v10;
	v6 =	vld [tilespmem:s30+$0xFFFFFF60]  }
0xe8: {  	v10 =	vld [tilespmem:s30+$0xFFFFFFA0];
	[tilespmem:s30+$0xF0] =	vst v5  }
0xe9: {  	v5 =	vld [tilespmem:s30+$0x70];
	[tilespmem:s30+$0x90] =	vst v1;
	v0 =	vadd.f32 v0, v3  }
0xea: {  	v1 =	vld [tilespmem:s31+$0xA0]  }
0xeb: {  	v3 =	vld [tilespmem:s31+$0xFFFFFFE0];
	[tilespmem:s30+$0x50] =	vst v0;
	v2 =	vadd.f32 v11, v2  }
0xec: {  	v0 =	vld [tilespmem:s31+$0x60]  }
0xed: {  	[tilespmem:s30+$0xFFFFFF20] =	vst v2;
	v2 =	vadd.f32 v8, v6;
	v6 =	vld [tilespmem:s30+$0xA0]  }
0xee: {  	v11 =	vld [tilespmem:s30+$0x20]  }
0xef: {  	v8 =	vadd.f32 v9, v10;
	v9 =	vld [tilespmem:s30+$0xFFFFFFB0]  }
0xf0: {  	v10 =	vld [tilespmem:s31+$0xFFFFFF30];
	[tilespmem:s30+$0xFFFFFF60] =	vst v2  }
0xf1: {  	v2 =	vadd.f32 v3, v61;
	[tilespmem:s30+$0xFFFFFFA0] =	vst v8;
	v8 =	vld [tilespmem:s30+$0xFFFFFFF0]  }
0xf2: {  	v14 =	vld [tilespmem:s31+$0xFFFFFF70];
	v6 =	vadd.f32 v1, v6  }
0xf3: {  	v3 =	vadd.f32 v4, v11;
	v4 =	vld [tilespmem:s31+$0xFFFFFFB0];
	[tilespmem:s30+$0xFFFFFFE0] =	vst v2  }
0xf4: {  	v0 =	vadd.f32 v0, v62;
	[tilespmem:s30+$0xA0] =	vst v6;
	v6 =	vld [tilespmem:s30+$0xFFFFFF70]  }
0xf5: {  	v2 =	vld [tilespmem:s31+$0xFFFFFFF0];
	[tilespmem:s30+$0x20] =	vst v3  }
0xf6: {  	[tilespmem:s30+$0x60] =	vst v0;
	v3 =	vld [tilespmem:s31+$0x30]  }
0xf7: {  	v1 =	vld [tilespmem:s31+$0x70];
	v10 =	vadd.f32 v10, v63  }
0xf8: {  	v0 =	vld [tilespmem:s31+$0xB0]  }
0xf9: {  	s1 =	simm.s32 $0x0;
	s0 =	simm.s32 $0xCB00;
	[tilespmem:s30+$0xFFFFFF30] =	vst v10;
	v10 =	vadd.f32 v14, v6;
	v6 =	vld [tilespmem:s30+$0xB0]  }
.LBB2_5:
0xfa: {  	v11 =	vld [tilespmem:s0+$0xC0];
	v4 =	vadd.f32 v4, v9;
	s31 =	sadd.s32 $0x200, s31  }
0xfb: {  	s1 =	sadd.s32 $0x8, s1;
	v9 =	vld [tilespmem:s31+$0xC0];
	[tilespmem:s30+$0xFFFFFF70] =	vst v10;
	v2 =	vadd.f32 v2, v8  }
0xfc: {  	p0 =	slt.u32 s1, $0xC0;
	v8 =	vld [tilespmem:s31+$0xFFFFFF00];
	[tilespmem:s30+$0xFFFFFFB0] =	vst v4;
	v3 =	vadd.f32 v3, v7  }
0xfd: {  	v4 =	vld [tilespmem:s0+$0xFFFFFF40];
	[tilespmem:s30+$0xFFFFFFF0] =	vst v2;
	v1 =	vadd.f32 v1, v5  }
0xfe: {  	v2 =	vld [tilespmem:s31+$0xFFFFFF40];
	[tilespmem:s30+$0x30] =	vst v3;
	v0 =	vadd.f32 v0, v6  }
0xff: {  	v3 =	vld [tilespmem:s0+$0xFFFFFF80];
	[tilespmem:s30+$0x70] =	vst v1  }
0x100: {  	v1 =	vld [tilespmem:s31+$0xFFFFFF80];
	v5 =	vadd.f32 v9, v11;
	[tilespmem:s30+$0xB0] =	vst v0;
	s30 =	smov.u32 s0  }
0x101: {  	v0 =	vld [tilespmem:s0+$0xFFFFFFC0]  }
0x102: {  	[tilespmem:s0+$0xC0] =	vst v5;
	v5 =	vld [tilespmem:s0+$0xD0]  }
0x103: {  	v2 =	vadd.f32 v2, v4;
	v4 =	vld [tilespmem:s31+$0xD0]  }
0x104: {  	v6 =	vld [tilespmem:s31+$0xFFFFFFC0]  }
0x105: {  	[tilespmem:s0+$0xFFFFFF40] =	vst v2;
	v1 =	vadd.f32 v1, v3;
	v2 =	vld [tilespmem:s0+$0x0]  }
0x106: {  	v3 =	vld [tilespmem:s31+$0x0]  }
0x107: {  	[tilespmem:s0+$0xFFFFFF80] =	vst v1;
	v1 =	vld [tilespmem:s0+$0x40]  }
0x108: {  	v7 =	vld [tilespmem:s31+$0x40];
	v4 =	vadd.f32 v4, v5  }
0x109: {  	v0 =	vadd.f32 v6, v0;
	v5 =	vld [tilespmem:s0+$0x80]  }
0x10a: {  	[tilespmem:s0+$0xD0] =	vst v4;
	v4 =	vld [tilespmem:s0+$0xE0]  }
0x10b: {  	[tilespmem:s0+$0xFFFFFFC0] =	vst v0;
	v0 =	vadd.f32 v3, v2;
	v2 =	vld [tilespmem:s31+$0xE0]  }
0x10c: {  	v3 =	vld [tilespmem:s31+$0x80]  }
0x10d: {  	v6 =	vld [tilespmem:s0+$0xFFFFFF00];
	[tilespmem:s0+$0x0] =	vst v0;
	v0 =	vadd.f32 v7, v1  }
0x10e: {  	v1 =	vld [tilespmem:s31+$0xFFFFFF50]  }
0x10f: {  	v7 =	vld [tilespmem:s31+$0xFFFFFF90];
	[tilespmem:s0+$0x40] =	vst v0  }
0x110: {  	v0 =	vld [tilespmem:s31+$0xFFFFFFD0];
	v2 =	vadd.f32 v2, v4  }
0x111: {  	v4 =	vld [tilespmem:s31+$0x10];
	v3 =	vadd.f32 v3, v5  }
0x112: {  	v5 =	vadd.f32 v8, v6;
	[tilespmem:s0+$0xE0] =	vst v2;
	v2 =	vld [tilespmem:s0+$0xF0]  }
0x113: {  	[tilespmem:s0+$0x80] =	vst v3;
	v3 =	vld [tilespmem:s31+$0xF0]  }
0x114: {  	[tilespmem:s0+$0xFFFFFF00] =	vst v5;
	v5 =	vld [tilespmem:s31+$0x50]  }
0x115: {  	v6 =	vld [tilespmem:s31+$0xFFFFFF10]  }
0x116: {  	v8 =	vld [tilespmem:s31+$0x90]  }
0x117: {  	v9 =	vld [tilespmem:s0+$0xFFFFFF10]  }
0x118: {  	v10 =	vld [tilespmem:s0+$0xFFFFFF50];
	v2 =	vadd.f32 v3, v2  }
0x119: {  	v3 =	vld [tilespmem:s0+$0xFFFFFF90]  }
0x11a: {  	v11 =	vld [tilespmem:s0+$0xFFFFFFD0];
	[tilespmem:s0+$0xF0] =	vst v2  }
0x11b: {  	v2 =	vld [tilespmem:s0+$0x10]  }
0x11c: {  	v6 =	vadd.f32 v6, v9;
	v9 =	vld [tilespmem:s0+$0x50]  }
0x11d: {  	v1 =	vadd.f32 v1, v10;
	v10 =	vld [tilespmem:s0+$0x90]  }
0x11e: {  	[tilespmem:s0+$0xFFFFFF10] =	vst v6;
	v6 =	vld [tilespmem:s0+$0xFFFFFF20];
	v3 =	vadd.f32 v7, v3  }
0x11f: {  	v7 =	vld [tilespmem:s31+$0xFFFFFF20];
	[tilespmem:s0+$0xFFFFFF50] =	vst v1;
	v0 =	vadd.f32 v0, v11  }
0x120: {  	v1 =	vld [tilespmem:s31+$0xFFFFFF60];
	[tilespmem:s0+$0xFFFFFF90] =	vst v3;
	v2 =	vadd.f32 v4, v2  }
0x121: {  	v3 =	vld [tilespmem:s31+$0xFFFFFFA0];
	[tilespmem:s0+$0xFFFFFFD0] =	vst v0;
	v0 =	vadd.f32 v5, v9  }
0x122: {  	v4 =	vld [tilespmem:s31+$0xFFFFFFE0];
	[tilespmem:s0+$0x10] =	vst v2;
	v2 =	vadd.f32 v8, v10  }
0x123: {  	v5 =	vld [tilespmem:s31+$0x20];
	[tilespmem:s0+$0x50] =	vst v0  }
0x124: {  	v0 =	vadd.f32 v7, v6;
	v6 =	vld [tilespmem:s31+$0x60];
	[tilespmem:s0+$0x90] =	vst v2  }
0x125: {  	v7 =	vld [tilespmem:s31+$0xA0]  }
0x126: {  	[tilespmem:s0+$0xFFFFFF20] =	vst v0;
	v0 =	vld [tilespmem:s0+$0xFFFFFF60]  }
0x127: {  	v2 =	vld [tilespmem:s0+$0xFFFFFFA0]  }
0x128: {  	v8 =	vld [tilespmem:s0+$0xFFFFFFE0]  }
0x129: {  	v9 =	vld [tilespmem:s0+$0x20]  }
0x12a: {  	v10 =	vld [tilespmem:s0+$0x60]  }
0x12b: {  	v0 =	vadd.f32 v1, v0;
	v1 =	vld [tilespmem:s0+$0xA0]  }
0x12c: {  	v11 =	vld [tilespmem:s31+$0xFFFFFF30];
	v2 =	vadd.f32 v3, v2  }
0x12d: {  	v12 =	vld [tilespmem:s0+$0xFFFFFF30];
	[tilespmem:s0+$0xFFFFFF60] =	vst v0;
	v0 =	vadd.f32 v4, v8  }
0x12e: {  	v13 =	vld [tilespmem:s31+$0xFFFFFF70];
	[tilespmem:s0+$0xFFFFFFA0] =	vst v2;
	v3 =	vadd.f32 v5, v9  }
0x12f: {  	v4 =	vld [tilespmem:s31+$0xFFFFFFB0];
	[tilespmem:s0+$0xFFFFFFE0] =	vst v0;
	v0 =	vadd.f32 v6, v10  }
0x130: {  	v2 =	vld [tilespmem:s31+$0xFFFFFFF0];
	[tilespmem:s0+$0x20] =	vst v3;
	v5 =	vadd.f32 v7, v1  }
0x131: {  	v3 =	vld [tilespmem:s31+$0x30];
	[tilespmem:s0+$0x60] =	vst v0  }
0x132: {  	v6 =	vadd.f32 v11, v12;
	v1 =	vld [tilespmem:s31+$0x70];
	[tilespmem:s0+$0xA0] =	vst v5  }
0x133: {  	v0 =	vld [tilespmem:s31+$0xB0]  }
0x134: {  	[tilespmem:s0+$0xFFFFFF30] =	vst v6;
	v6 =	vld [tilespmem:s0+$0xFFFFFF70]  }
.Ltmp3:
0x135: {  	v9 =	vld [tilespmem:s0+$0xFFFFFFB0];
	(pc) =	sbr.rel @p0 .LBB2_5-.Ltmp3, $4  }
0x136: {  	v8 =	vld [tilespmem:s0+$0xFFFFFFF0]  }
0x137: {  	v7 =	vld [tilespmem:s0+$0x30]  }
0x138: {  	v5 =	vld [tilespmem:s0+$0x70]  }
0x139: {  	s0 =	sadd.s32 $0x200, s0;
	v10 =	vadd.f32 v13, v6;
	v6 =	vld [tilespmem:s30+$0xB0]  }
0x13a: {  	v4 =	vadd.f32 v4, v9  }
0x13b: {  	[tilespmem:s30+$0xFFFFFF70] =	vst v10;
	v2 =	vadd.f32 v2, v8  }
0x13c: {  	s0 =	sadd.s32 s29, s4;
	[tilespmem:s30+$0xFFFFFFB0] =	vst v4;
	v3 =	vadd.f32 v3, v7  }
0x13d: {  	s0 =	smul.u32 $0x640, s0;
	[tilespmem:s30+$0xFFFFFFF0] =	vst v2;
	v1 =	vadd.f32 v1, v5  }
0x13e: {  	[tilespmem:s30+$0x30] =	vst v3;
	v0 =	vadd.f32 v0, v6  }
0x13f: {  	s29 =	sadd.s32 s2, s0;
	[tilespmem:s30+$0x70] =	vst v1  }
0x140: {  	p0 =	seq.s32 s26, $0x1F;
	s0 =	sadd.s32 $0x640, s29;
	[tilespmem:s30+$0xB0] =	vst v0  }
0x141: {  	[hbm4b:s0+s3] =	stream.linear.scatter [tilespmem:s13], [sflag:$0x6], $0x3200, $0x38;
	[tilespmem:$0x15E00] =	vst v63  }
0x142: {  	s1 =	smul.u32 @!p0 $0xC80, s26;
	s0 =	simm.s32 @!p0 $0x5  }
0x143: {  	_ =	swait.ge @!p0 [sflag:s0], $0x3200  }
0x144: {  	s10 =	simm.s32 @!p0 $0x9600;
	s30 =	sshra.s32 @!p0 s1, $0x2;
	[sflag:s0] =	ssyncset.done @!p0 $0x0  }
0x145: {  	s1 =	simm.s32 @!p0 $0xC8;
	[sflag:s0] =	ssyncadd.s32 @!p0 $0xFFFFCE00;
	s0 =	sadd.s32 @!p0 $0x320, s30  }
0x146: {  	[tilespmem:s10], [sflag:$0x1] =	stream.indirect.gather @!p0 [hbm4b:s5+s1], $0x40, s0, s1, $0xb8;
	[tilespmem:$0x15E00] =	vst v63  }
0x147: {  	_ =	swait.ge [sflag:s19], $0x3200  }
0x148: {  	[sflag:s19] =	ssyncset.done $0x0  }
0x149: {  	s31 =	simm.s32 $0xFB00;
	[sflag:s19] =	ssyncadd.s32 $0xFFFFCE00  }
0x14a: {  	s1 =	simm.s32 $0x6500;
	v0 =	vld [tilespmem:s31+$0xC0]  }
0x14b: {  	v1 =	vld [tilespmem:s1+$0xC0]  }
0x14c: {  	v2 =	vld [tilespmem:s1+$0xFFFFFF00]  }
0x14d: {  	v3 =	vld [tilespmem:s31+$0xFFFFFF40]  }
0x14e: {  	v4 =	vld [tilespmem:s31+$0xFFFFFF80]  }
0x14f: {  	v6 =	vld [tilespmem:s1+$0xFFFFFF80]  }
0x150: {  	v7 =	vld [tilespmem:s31+$0xFFFFFFC0]  }
0x151: {  	v8 =	vld [tilespmem:s1+$0xFFFFFFC0]  }
0x152: {  	v9 =	vld [tilespmem:s31+$0x0]  }
0x153: {  	v10 =	vld [tilespmem:s1+$0x0]  }
0x154: {  	v11 =	vld [tilespmem:s1+$0x40]  }
0x155: {  	v60 =	vld [tilespmem:s31+$0xFFFFFFD0]  }
0x156: {  	v13 =	vld [tilespmem:s31+$0x10]  }
0x157: {  	v61 =	vld [tilespmem:s31+$0xFFFFFFE0]  }
0x158: {  	v62 =	vld [tilespmem:s31+$0x60];
	v0 =	vadd.f32 v1, v0  }
0x159: {  	v1 =	vld [tilespmem:s1+$0xFFFFFF40]  }
0x15a: {  	[tilespmem:s31+$0xC0] =	vst v0;
	v0 =	vld [tilespmem:s31+$0xD0]  }
0x15b: {  	v5 =	vld [tilespmem:s1+$0xD0]  }
0x15c: {  	v63 =	vld [tilespmem:s31+$0xFFFFFF30];
	v4 =	vadd.f32 v6, v4  }
0x15d: {  	v6 =	vld [tilespmem:s1+$0x80]  }
0x15e: {  	[tilespmem:s31+$0xFFFFFF80] =	vst v4;
	v4 =	vadd.f32 v10, v9;
	v10 =	vld [tilespmem:s31+$0xFFFFFF50];
	v1 =	vadd.f32 v1, v3  }
0x15f: {  	v3 =	vld [tilespmem:s31+$0x80]  }
0x160: {  	[tilespmem:s31+$0xFFFFFF40] =	vst v1;
	v0 =	vadd.f32 v5, v0;
	v5 =	vld [tilespmem:s31+$0x40]  }
0x161: {  	v1 =	vadd.f32 v8, v7;
	v8 =	vld [tilespmem:s1+$0xFFFFFF50]  }
0x162: {  	[tilespmem:s31+$0xD0] =	vst v0;
	v0 =	vld [tilespmem:s31+$0xE0]  }
0x163: {  	[tilespmem:s31+$0x0] =	vst v4;
	v12 =	vld [tilespmem:s1+$0xE0]  }
0x164: {  	v9 =	vld [tilespmem:s1+$0x10]  }
0x165: {  	v7 =	vld [tilespmem:s31+$0xFFFFFF00]  }
0x166: {  	[tilespmem:s31+$0xFFFFFFC0] =	vst v1;
	v1 =	vld [tilespmem:s1+$0xFFFFFF90]  }
0x167: {  	v4 =	vld [tilespmem:s1+$0xFFFFFFD0];
	v8 =	vadd.f32 v8, v10  }
0x168: {  	v5 =	vadd.f32 v11, v5;
	v11 =	vld [tilespmem:s31+$0xFFFFFF90];
	v0 =	vadd.f32 v12, v0  }
0x169: {  	v10 =	vld [tilespmem:s31+$0x90];
	[tilespmem:s31+$0xFFFFFF50] =	vst v8  }
0x16a: {  	v8 =	vld [tilespmem:s1+$0xFFFFFF60];
	[tilespmem:s31+$0xE0] =	vst v0;
	v0 =	vadd.f32 v2, v7  }
0x16b: {  	[tilespmem:s31+$0x40] =	vst v5;
	v7 =	vld [tilespmem:s31+$0xF0];
	v2 =	vadd.f32 v6, v3  }
0x16c: {  	v5 =	vld [tilespmem:s1+$0xF0];
	[tilespmem:s31+$0xFFFFFF00] =	vst v0  }
0x16d: {  	v1 =	vadd.f32 v1, v11;
	[tilespmem:s31+$0x80] =	vst v2;
	v2 =	vld [tilespmem:s31+$0xFFFFFF10]  }
0x16e: {  	v3 =	vld [tilespmem:s1+$0xFFFFFF10]  }
0x16f: {  	[tilespmem:s31+$0xFFFFFF90] =	vst v1;
	v1 =	vadd.f32 v9, v13;
	v6 =	vld [tilespmem:s1+$0x90]  }
0x170: {  	v4 =	vadd.f32 v4, v60;
	v0 =	vld [tilespmem:s1+$0x50]  }
0x171: {  	v9 =	vld [tilespmem:s1+$0xFFFFFFA0];
	[tilespmem:s31+$0x10] =	vst v1  }
0x172: {  	[tilespmem:s31+$0xFFFFFFD0] =	vst v4;
	v4 =	vld [tilespmem:s1+$0x20]  }
0x173: {  	v2 =	vadd.f32 v3, v2;
	v3 =	vld [tilespmem:s31+$0x50]  }
0x174: {  	v1 =	vadd.f32 v6, v10;
	v10 =	vld [tilespmem:s31+$0xFFFFFFA0]  }
0x175: {  	[tilespmem:s31+$0xFFFFFF10] =	vst v2;
	v2 =	vld [tilespmem:s31+$0xFFFFFF20]  }
0x176: {  	v11 =	vld [tilespmem:s1+$0xFFFFFF20]  }
0x177: {  	v5 =	vadd.f32 v5, v7;
	[tilespmem:s31+$0x90] =	vst v1;
	v1 =	vld [tilespmem:s31+$0xFFFFFF60]  }
0x178: {  	v7 =	vld [tilespmem:s31+$0x30]  }
0x179: {  	[tilespmem:s31+$0xF0] =	vst v5;
	v5 =	vld [tilespmem:s31+$0x70]  }
0x17a: {  	v6 =	vld [tilespmem:s1+$0xA0]  }
0x17b: {  	v0 =	vadd.f32 v0, v3;
	v3 =	vld [tilespmem:s1+$0xFFFFFFE0];
	v2 =	vadd.f32 v11, v2  }
0x17c: {  	v1 =	vadd.f32 v8, v1;
	v8 =	vadd.f32 v9, v10;
	v9 =	vld [tilespmem:s31+$0xFFFFFFB0]  }
0x17d: {  	[tilespmem:s31+$0xFFFFFF20] =	vst v2;
	v2 =	vld [tilespmem:s31+$0xA0]  }
0x17e: {  	[tilespmem:s31+$0x50] =	vst v0;
	v11 =	vld [tilespmem:s31+$0x20]  }
0x17f: {  	v0 =	vld [tilespmem:s1+$0x60];
	[tilespmem:s31+$0xFFFFFF60] =	vst v1  }
0x180: {  	[tilespmem:s31+$0xFFFFFFA0] =	vst v8;
	v8 =	vld [tilespmem:s31+$0xFFFFFFF0]  }
0x181: {  	v1 =	vadd.f32 v3, v61;
	v14 =	vld [tilespmem:s1+$0xFFFFFF70]  }
0x182: {  	v10 =	vld [tilespmem:s1+$0xFFFFFF30];
	v6 =	vadd.f32 v6, v2  }
0x183: {  	[tilespmem:s31+$0xFFFFFFE0] =	vst v1;
	v3 =	vadd.f32 v4, v11;
	v4 =	vld [tilespmem:s1+$0xFFFFFFB0]  }
0x184: {  	v0 =	vadd.f32 v0, v62;
	[tilespmem:s31+$0xA0] =	vst v6;
	v6 =	vld [tilespmem:s31+$0xFFFFFF70]  }
0x185: {  	v1 =	vld [tilespmem:s1+$0xFFFFFFF0];
	[tilespmem:s31+$0x20] =	vst v3  }
0x186: {  	[tilespmem:s31+$0x60] =	vst v0;
	v2 =	vld [tilespmem:s1+$0x30]  }
0x187: {  	v3 =	vld [tilespmem:s1+$0x70];
	v10 =	vadd.f32 v10, v63  }
0x188: {  	v0 =	vld [tilespmem:s1+$0xB0]  }
0x189: {  	s0 =	simm.s32 $0x0;
	s10 =	simm.s32 $0xFD00;
	[tilespmem:s31+$0xFFFFFF30] =	vst v10;
	v10 =	vadd.f32 v14, v6;
	v6 =	vld [tilespmem:s31+$0xB0]  }
.LBB2_7:
0x18a: {  	v11 =	vld [tilespmem:s10+$0xC0];
	v4 =	vadd.f32 v4, v9;
	s1 =	sadd.s32 $0x200, s1  }
0x18b: {  	s0 =	sadd.s32 $0x8, s0;
	v9 =	vld [tilespmem:s1+$0xC0];
	[tilespmem:s31+$0xFFFFFF70] =	vst v10;
	v1 =	vadd.f32 v1, v8  }
0x18c: {  	p1 =	slt.u32 s0, $0xC0;
	v8 =	vld [tilespmem:s1+$0xFFFFFF00];
	[tilespmem:s31+$0xFFFFFFB0] =	vst v4;
	v2 =	vadd.f32 v2, v7  }
0x18d: {  	v4 =	vld [tilespmem:s10+$0xFFFFFF40];
	[tilespmem:s31+$0xFFFFFFF0] =	vst v1;
	v1 =	vadd.f32 v3, v5  }
0x18e: {  	v3 =	vld [tilespmem:s1+$0xFFFFFF40];
	[tilespmem:s31+$0x30] =	vst v2;
	v0 =	vadd.f32 v0, v6  }
0x18f: {  	v2 =	vld [tilespmem:s10+$0xFFFFFF80];
	[tilespmem:s31+$0x70] =	vst v1  }
0x190: {  	v1 =	vld [tilespmem:s1+$0xFFFFFF80];
	v5 =	vadd.f32 v9, v11;
	[tilespmem:s31+$0xB0] =	vst v0;
	s31 =	smov.u32 s10  }
0x191: {  	v0 =	vld [tilespmem:s10+$0xFFFFFFC0]  }
0x192: {  	[tilespmem:s10+$0xC0] =	vst v5;
	v5 =	vld [tilespmem:s10+$0xD0]  }
0x193: {  	v3 =	vadd.f32 v3, v4;
	v4 =	vld [tilespmem:s1+$0xD0]  }
0x194: {  	v6 =	vld [tilespmem:s1+$0xFFFFFFC0]  }
0x195: {  	[tilespmem:s10+$0xFFFFFF40] =	vst v3;
	v1 =	vadd.f32 v1, v2;
	v2 =	vld [tilespmem:s10+$0x0]  }
0x196: {  	v3 =	vld [tilespmem:s1+$0x0]  }
0x197: {  	[tilespmem:s10+$0xFFFFFF80] =	vst v1;
	v1 =	vld [tilespmem:s10+$0x40]  }
0x198: {  	v7 =	vld [tilespmem:s1+$0x40];
	v4 =	vadd.f32 v4, v5  }
0x199: {  	v0 =	vadd.f32 v6, v0;
	v5 =	vld [tilespmem:s10+$0x80]  }
0x19a: {  	[tilespmem:s10+$0xD0] =	vst v4;
	v4 =	vld [tilespmem:s10+$0xE0]  }
0x19b: {  	[tilespmem:s10+$0xFFFFFFC0] =	vst v0;
	v0 =	vadd.f32 v3, v2;
	v2 =	vld [tilespmem:s1+$0xE0]  }
0x19c: {  	v3 =	vld [tilespmem:s1+$0x80]  }
0x19d: {  	v6 =	vld [tilespmem:s10+$0xFFFFFF00];
	[tilespmem:s10+$0x0] =	vst v0;
	v0 =	vadd.f32 v7, v1  }
0x19e: {  	v1 =	vld [tilespmem:s1+$0xFFFFFF50]  }
0x19f: {  	v7 =	vld [tilespmem:s1+$0xFFFFFF90];
	[tilespmem:s10+$0x40] =	vst v0  }
0x1a0: {  	v0 =	vld [tilespmem:s1+$0xFFFFFFD0];
	v2 =	vadd.f32 v2, v4  }
0x1a1: {  	v4 =	vld [tilespmem:s1+$0x10];
	v3 =	vadd.f32 v3, v5  }
0x1a2: {  	v5 =	vadd.f32 v8, v6;
	[tilespmem:s10+$0xE0] =	vst v2;
	v2 =	vld [tilespmem:s10+$0xF0]  }
0x1a3: {  	[tilespmem:s10+$0x80] =	vst v3;
	v3 =	vld [tilespmem:s1+$0xF0]  }
0x1a4: {  	[tilespmem:s10+$0xFFFFFF00] =	vst v5;
	v5 =	vld [tilespmem:s1+$0x50]  }
0x1a5: {  	v6 =	vld [tilespmem:s1+$0xFFFFFF10]  }
0x1a6: {  	v8 =	vld [tilespmem:s1+$0x90]  }
0x1a7: {  	v9 =	vld [tilespmem:s10+$0xFFFFFF10]  }
0x1a8: {  	v10 =	vld [tilespmem:s10+$0xFFFFFF50];
	v2 =	vadd.f32 v3, v2  }
0x1a9: {  	v3 =	vld [tilespmem:s10+$0xFFFFFF90]  }
0x1aa: {  	v11 =	vld [tilespmem:s10+$0xFFFFFFD0];
	[tilespmem:s10+$0xF0] =	vst v2  }
0x1ab: {  	v2 =	vld [tilespmem:s10+$0x10]  }
0x1ac: {  	v6 =	vadd.f32 v6, v9;
	v9 =	vld [tilespmem:s10+$0x50]  }
0x1ad: {  	v1 =	vadd.f32 v1, v10;
	v10 =	vld [tilespmem:s10+$0x90]  }
0x1ae: {  	[tilespmem:s10+$0xFFFFFF10] =	vst v6;
	v6 =	vld [tilespmem:s10+$0xFFFFFF20];
	v3 =	vadd.f32 v7, v3  }
0x1af: {  	v7 =	vld [tilespmem:s1+$0xFFFFFF20];
	[tilespmem:s10+$0xFFFFFF50] =	vst v1;
	v0 =	vadd.f32 v0, v11  }
0x1b0: {  	v1 =	vld [tilespmem:s1+$0xFFFFFF60];
	[tilespmem:s10+$0xFFFFFF90] =	vst v3;
	v2 =	vadd.f32 v4, v2  }
0x1b1: {  	v3 =	vld [tilespmem:s1+$0xFFFFFFA0];
	[tilespmem:s10+$0xFFFFFFD0] =	vst v0;
	v0 =	vadd.f32 v5, v9  }
0x1b2: {  	v4 =	vld [tilespmem:s1+$0xFFFFFFE0];
	[tilespmem:s10+$0x10] =	vst v2;
	v2 =	vadd.f32 v8, v10  }
0x1b3: {  	v5 =	vld [tilespmem:s1+$0x20];
	[tilespmem:s10+$0x50] =	vst v0  }
0x1b4: {  	v0 =	vadd.f32 v7, v6;
	v6 =	vld [tilespmem:s1+$0x60];
	[tilespmem:s10+$0x90] =	vst v2  }
0x1b5: {  	v2 =	vld [tilespmem:s1+$0xA0]  }
0x1b6: {  	[tilespmem:s10+$0xFFFFFF20] =	vst v0;
	v0 =	vld [tilespmem:s10+$0xFFFFFF60]  }
0x1b7: {  	v7 =	vld [tilespmem:s10+$0xFFFFFFA0]  }
0x1b8: {  	v8 =	vld [tilespmem:s10+$0xFFFFFFE0]  }
0x1b9: {  	v9 =	vld [tilespmem:s10+$0x20]  }
0x1ba: {  	v10 =	vld [tilespmem:s10+$0x60]  }
0x1bb: {  	v0 =	vadd.f32 v1, v0;
	v11 =	vld [tilespmem:s10+$0xA0]  }
0x1bc: {  	v12 =	vld [tilespmem:s1+$0xFFFFFF30];
	v1 =	vadd.f32 v3, v7  }
0x1bd: {  	v3 =	vld [tilespmem:s10+$0xFFFFFF30];
	[tilespmem:s10+$0xFFFFFF60] =	vst v0;
	v0 =	vadd.f32 v4, v8  }
0x1be: {  	v13 =	vld [tilespmem:s1+$0xFFFFFF70];
	[tilespmem:s10+$0xFFFFFFA0] =	vst v1;
	v5 =	vadd.f32 v5, v9  }
0x1bf: {  	v4 =	vld [tilespmem:s1+$0xFFFFFFB0];
	[tilespmem:s10+$0xFFFFFFE0] =	vst v0;
	v0 =	vadd.f32 v6, v10  }
0x1c0: {  	v1 =	vld [tilespmem:s1+$0xFFFFFFF0];
	[tilespmem:s10+$0x20] =	vst v5;
	v5 =	vadd.f32 v2, v11  }
0x1c1: {  	v2 =	vld [tilespmem:s1+$0x30];
	[tilespmem:s10+$0x60] =	vst v0  }
0x1c2: {  	v6 =	vadd.f32 v12, v3;
	v3 =	vld [tilespmem:s1+$0x70];
	[tilespmem:s10+$0xA0] =	vst v5  }
0x1c3: {  	v0 =	vld [tilespmem:s1+$0xB0]  }
0x1c4: {  	[tilespmem:s10+$0xFFFFFF30] =	vst v6;
	v6 =	vld [tilespmem:s10+$0xFFFFFF70]  }
.Ltmp4:
0x1c5: {  	v9 =	vld [tilespmem:s10+$0xFFFFFFB0];
	(pc) =	sbr.rel @p1 .LBB2_7-.Ltmp4, $4  }
0x1c6: {  	v8 =	vld [tilespmem:s10+$0xFFFFFFF0]  }
0x1c7: {  	v7 =	vld [tilespmem:s10+$0x30]  }
0x1c8: {  	v5 =	vld [tilespmem:s10+$0x70]  }
0x1c9: {  	s10 =	sadd.s32 $0x200, s10;
	v10 =	vadd.f32 v13, v6;
	v6 =	vld [tilespmem:s31+$0xB0]  }
0x1ca: {  	v4 =	vadd.f32 v4, v9  }
0x1cb: {  	[tilespmem:s31+$0xFFFFFF70] =	vst v10;
	v1 =	vadd.f32 v1, v8  }
0x1cc: {  	[tilespmem:s31+$0xFFFFFFB0] =	vst v4;
	v2 =	vadd.f32 v2, v7  }
0x1cd: {  	[tilespmem:s31+$0xFFFFFFF0] =	vst v1;
	v1 =	vadd.f32 v3, v5  }
0x1ce: {  	[tilespmem:s31+$0x30] =	vst v2;
	v0 =	vadd.f32 v0, v6  }
0x1cf: {  	[tilespmem:s31+$0x70] =	vst v1  }
0x1d0: {  	s0 =	sadd.s32 $0xC80, s29;
	[tilespmem:s31+$0xB0] =	vst v0  }
0x1d1: {  	[hbm4b:s0+s3] =	stream.linear.scatter [tilespmem:s15], [sflag:$0x7], $0x3200, $0x38;
	[tilespmem:$0x15E00] =	vst v63  }
0x1d2: {  	s0 =	simm.s32 @!p0 $0x6  }
0x1d3: {  	_ =	swait.ge @!p0 [sflag:s0], $0x3200  }
0x1d4: {  	s1 =	simm.s32 @!p0 $0xC8;
	[sflag:s0] =	ssyncset.done @!p0 $0x0  }
0x1d5: {  	s10 =	simm.s32 @!p0 $0xC800;
	[sflag:s0] =	ssyncadd.s32 @!p0 $0xFFFFCE00;
	s0 =	sadd.s32 @!p0 $0x3E8, s30  }
0x1d6: {  	[tilespmem:s10], [sflag:$0x2] =	stream.indirect.gather @!p0 [hbm4b:s5+s1], $0x40, s0, s1, $0xb8;
	[tilespmem:$0x15E00] =	vst v63  }
0x1d7: {  	_ =	swait.ge [sflag:s20], $0x3200  }
0x1d8: {  	[sflag:s20] =	ssyncset.done $0x0  }
0x1d9: {  	s29 =	simm.s32 $0x12D00;
	[sflag:s20] =	ssyncadd.s32 $0xFFFFCE00  }
0x1da: {  	s1 =	simm.s32 $0x6500;
	v0 =	vld [tilespmem:s29+$0xC0]  }
0x1db: {  	v1 =	vld [tilespmem:s1+$0xC0]  }
0x1dc: {  	v2 =	vld [tilespmem:s1+$0xFFFFFF00]  }
0x1dd: {  	v3 =	vld [tilespmem:s29+$0xFFFFFF40]  }
0x1de: {  	v4 =	vld [tilespmem:s29+$0xFFFFFF80]  }
0x1df: {  	v6 =	vld [tilespmem:s1+$0xFFFFFF80]  }
0x1e0: {  	v7 =	vld [tilespmem:s29+$0xFFFFFFC0]  }
0x1e1: {  	v8 =	vld [tilespmem:s1+$0xFFFFFFC0]  }
0x1e2: {  	v9 =	vld [tilespmem:s29+$0x0]  }
0x1e3: {  	v10 =	vld [tilespmem:s1+$0x0]  }
0x1e4: {  	v11 =	vld [tilespmem:s1+$0x40]  }
0x1e5: {  	v60 =	vld [tilespmem:s29+$0xFFFFFFD0]  }
0x1e6: {  	v13 =	vld [tilespmem:s29+$0x10]  }
0x1e7: {  	v61 =	vld [tilespmem:s29+$0xFFFFFFE0]  }
0x1e8: {  	v62 =	vld [tilespmem:s29+$0x60];
	v0 =	vadd.f32 v1, v0  }
0x1e9: {  	v1 =	vld [tilespmem:s1+$0xFFFFFF40]  }
0x1ea: {  	[tilespmem:s29+$0xC0] =	vst v0;
	v0 =	vld [tilespmem:s29+$0xD0]  }
0x1eb: {  	v5 =	vld [tilespmem:s1+$0xD0]  }
0x1ec: {  	v63 =	vld [tilespmem:s29+$0xFFFFFF30];
	v4 =	vadd.f32 v6, v4  }
0x1ed: {  	v6 =	vld [tilespmem:s1+$0x80]  }
0x1ee: {  	[tilespmem:s29+$0xFFFFFF80] =	vst v4;
	v4 =	vadd.f32 v10, v9;
	v10 =	vld [tilespmem:s29+$0xFFFFFF50];
	v1 =	vadd.f32 v1, v3  }
0x1ef: {  	v3 =	vld [tilespmem:s29+$0x80]  }
0x1f0: {  	[tilespmem:s29+$0xFFFFFF40] =	vst v1;
	v0 =	vadd.f32 v5, v0;
	v5 =	vld [tilespmem:s29+$0x40]  }
0x1f1: {  	v1 =	vadd.f32 v8, v7;
	v8 =	vld [tilespmem:s1+$0xFFFFFF50]  }
0x1f2: {  	[tilespmem:s29+$0xD0] =	vst v0;
	v0 =	vld [tilespmem:s29+$0xE0]  }
0x1f3: {  	[tilespmem:s29+$0x0] =	vst v4;
	v12 =	vld [tilespmem:s1+$0xE0]  }
0x1f4: {  	v9 =	vld [tilespmem:s1+$0x10]  }
0x1f5: {  	v7 =	vld [tilespmem:s29+$0xFFFFFF00]  }
0x1f6: {  	[tilespmem:s29+$0xFFFFFFC0] =	vst v1;
	v1 =	vld [tilespmem:s1+$0xFFFFFF90]  }
0x1f7: {  	v4 =	vld [tilespmem:s1+$0xFFFFFFD0];
	v8 =	vadd.f32 v8, v10  }
0x1f8: {  	v5 =	vadd.f32 v11, v5;
	v11 =	vld [tilespmem:s29+$0xFFFFFF90];
	v0 =	vadd.f32 v12, v0  }
0x1f9: {  	v10 =	vld [tilespmem:s29+$0x90];
	[tilespmem:s29+$0xFFFFFF50] =	vst v8  }
0x1fa: {  	v8 =	vld [tilespmem:s1+$0xFFFFFF60];
	[tilespmem:s29+$0xE0] =	vst v0;
	v0 =	vadd.f32 v2, v7  }
0x1fb: {  	[tilespmem:s29+$0x40] =	vst v5;
	v7 =	vld [tilespmem:s29+$0xF0];
	v2 =	vadd.f32 v6, v3  }
0x1fc: {  	v5 =	vld [tilespmem:s1+$0xF0];
	[tilespmem:s29+$0xFFFFFF00] =	vst v0  }
0x1fd: {  	v1 =	vadd.f32 v1, v11;
	[tilespmem:s29+$0x80] =	vst v2;
	v2 =	vld [tilespmem:s29+$0xFFFFFF10]  }
0x1fe: {  	v3 =	vld [tilespmem:s1+$0xFFFFFF10]  }
0x1ff: {  	[tilespmem:s29+$0xFFFFFF90] =	vst v1;
	v1 =	vadd.f32 v9, v13;
	v6 =	vld [tilespmem:s1+$0x90]  }
0x200: {  	v4 =	vadd.f32 v4, v60;
	v0 =	vld [tilespmem:s1+$0x50]  }
0x201: {  	v9 =	vld [tilespmem:s1+$0xFFFFFFA0];
	[tilespmem:s29+$0x10] =	vst v1  }
0x202: {  	[tilespmem:s29+$0xFFFFFFD0] =	vst v4;
	v4 =	vld [tilespmem:s1+$0x20]  }
0x203: {  	v2 =	vadd.f32 v3, v2;
	v3 =	vld [tilespmem:s29+$0x50]  }
0x204: {  	v1 =	vadd.f32 v6, v10;
	v10 =	vld [tilespmem:s29+$0xFFFFFFA0]  }
0x205: {  	[tilespmem:s29+$0xFFFFFF10] =	vst v2;
	v2 =	vld [tilespmem:s29+$0xFFFFFF20]  }
0x206: {  	v11 =	vld [tilespmem:s1+$0xFFFFFF20]  }
0x207: {  	v5 =	vadd.f32 v5, v7;
	[tilespmem:s29+$0x90] =	vst v1;
	v1 =	vld [tilespmem:s29+$0xFFFFFF60]  }
0x208: {  	v7 =	vld [tilespmem:s29+$0x30]  }
0x209: {  	[tilespmem:s29+$0xF0] =	vst v5;
	v5 =	vld [tilespmem:s29+$0x70]  }
0x20a: {  	v6 =	vld [tilespmem:s1+$0xA0]  }
0x20b: {  	v0 =	vadd.f32 v0, v3;
	v3 =	vld [tilespmem:s1+$0xFFFFFFE0];
	v2 =	vadd.f32 v11, v2  }
0x20c: {  	v1 =	vadd.f32 v8, v1;
	v8 =	vadd.f32 v9, v10;
	v9 =	vld [tilespmem:s29+$0xFFFFFFB0]  }
0x20d: {  	[tilespmem:s29+$0xFFFFFF20] =	vst v2;
	v2 =	vld [tilespmem:s29+$0xA0]  }
0x20e: {  	[tilespmem:s29+$0x50] =	vst v0;
	v11 =	vld [tilespmem:s29+$0x20]  }
0x20f: {  	v0 =	vld [tilespmem:s1+$0x60];
	[tilespmem:s29+$0xFFFFFF60] =	vst v1  }
0x210: {  	[tilespmem:s29+$0xFFFFFFA0] =	vst v8;
	v8 =	vld [tilespmem:s29+$0xFFFFFFF0]  }
0x211: {  	v1 =	vadd.f32 v3, v61;
	v14 =	vld [tilespmem:s1+$0xFFFFFF70]  }
0x212: {  	v10 =	vld [tilespmem:s1+$0xFFFFFF30];
	v6 =	vadd.f32 v6, v2  }
0x213: {  	[tilespmem:s29+$0xFFFFFFE0] =	vst v1;
	v3 =	vadd.f32 v4, v11;
	v4 =	vld [tilespmem:s1+$0xFFFFFFB0]  }
0x214: {  	v0 =	vadd.f32 v0, v62;
	[tilespmem:s29+$0xA0] =	vst v6;
	v6 =	vld [tilespmem:s29+$0xFFFFFF70]  }
0x215: {  	v1 =	vld [tilespmem:s1+$0xFFFFFFF0];
	[tilespmem:s29+$0x20] =	vst v3  }
0x216: {  	[tilespmem:s29+$0x60] =	vst v0;
	v2 =	vld [tilespmem:s1+$0x30]  }
0x217: {  	v3 =	vld [tilespmem:s1+$0x70];
	v10 =	vadd.f32 v10, v63  }
0x218: {  	v0 =	vld [tilespmem:s1+$0xB0]  }
0x219: {  	s0 =	simm.s32 $0x0;
	s10 =	simm.s32 $0x12F00;
	[tilespmem:s29+$0xFFFFFF30] =	vst v10;
	v10 =	vadd.f32 v14, v6;
	v6 =	vld [tilespmem:s29+$0xB0]  }
.LBB2_9:
0x21a: {  	v11 =	vld [tilespmem:s10+$0xC0];
	v4 =	vadd.f32 v4, v9;
	s1 =	sadd.s32 $0x200, s1  }
0x21b: {  	s0 =	sadd.s32 $0x8, s0;
	v9 =	vld [tilespmem:s1+$0xC0];
	[tilespmem:s29+$0xFFFFFF70] =	vst v10;
	v1 =	vadd.f32 v1, v8  }
0x21c: {  	p1 =	slt.u32 s0, $0xC0;
	v8 =	vld [tilespmem:s1+$0xFFFFFF00];
	[tilespmem:s29+$0xFFFFFFB0] =	vst v4;
	v2 =	vadd.f32 v2, v7  }
0x21d: {  	v4 =	vld [tilespmem:s10+$0xFFFFFF40];
	[tilespmem:s29+$0xFFFFFFF0] =	vst v1;
	v1 =	vadd.f32 v3, v5  }
0x21e: {  	v3 =	vld [tilespmem:s1+$0xFFFFFF40];
	[tilespmem:s29+$0x30] =	vst v2;
	v0 =	vadd.f32 v0, v6  }
0x21f: {  	v2 =	vld [tilespmem:s10+$0xFFFFFF80];
	[tilespmem:s29+$0x70] =	vst v1  }
0x220: {  	v1 =	vld [tilespmem:s1+$0xFFFFFF80];
	v5 =	vadd.f32 v9, v11;
	[tilespmem:s29+$0xB0] =	vst v0;
	s29 =	smov.u32 s10  }
0x221: {  	v0 =	vld [tilespmem:s10+$0xFFFFFFC0]  }
0x222: {  	[tilespmem:s10+$0xC0] =	vst v5;
	v5 =	vld [tilespmem:s10+$0xD0]  }
0x223: {  	v3 =	vadd.f32 v3, v4;
	v4 =	vld [tilespmem:s1+$0xD0]  }
0x224: {  	v6 =	vld [tilespmem:s1+$0xFFFFFFC0]  }
0x225: {  	[tilespmem:s10+$0xFFFFFF40] =	vst v3;
	v1 =	vadd.f32 v1, v2;
	v2 =	vld [tilespmem:s10+$0x0]  }
0x226: {  	v3 =	vld [tilespmem:s1+$0x0]  }
0x227: {  	[tilespmem:s10+$0xFFFFFF80] =	vst v1;
	v1 =	vld [tilespmem:s10+$0x40]  }
0x228: {  	v7 =	vld [tilespmem:s1+$0x40];
	v4 =	vadd.f32 v4, v5  }
0x229: {  	v0 =	vadd.f32 v6, v0;
	v5 =	vld [tilespmem:s10+$0x80]  }
0x22a: {  	[tilespmem:s10+$0xD0] =	vst v4;
	v4 =	vld [tilespmem:s10+$0xE0]  }
0x22b: {  	[tilespmem:s10+$0xFFFFFFC0] =	vst v0;
	v0 =	vadd.f32 v3, v2;
	v2 =	vld [tilespmem:s1+$0xE0]  }
0x22c: {  	v3 =	vld [tilespmem:s1+$0x80]  }
0x22d: {  	v6 =	vld [tilespmem:s10+$0xFFFFFF00];
	[tilespmem:s10+$0x0] =	vst v0;
	v0 =	vadd.f32 v7, v1  }
0x22e: {  	v1 =	vld [tilespmem:s1+$0xFFFFFF50]  }
0x22f: {  	v7 =	vld [tilespmem:s1+$0xFFFFFF90];
	[tilespmem:s10+$0x40] =	vst v0  }
0x230: {  	v0 =	vld [tilespmem:s1+$0xFFFFFFD0];
	v2 =	vadd.f32 v2, v4  }
0x231: {  	v4 =	vld [tilespmem:s1+$0x10];
	v3 =	vadd.f32 v3, v5  }
0x232: {  	v5 =	vadd.f32 v8, v6;
	[tilespmem:s10+$0xE0] =	vst v2;
	v2 =	vld [tilespmem:s10+$0xF0]  }
0x233: {  	[tilespmem:s10+$0x80] =	vst v3;
	v3 =	vld [tilespmem:s1+$0xF0]  }
0x234: {  	[tilespmem:s10+$0xFFFFFF00] =	vst v5;
	v5 =	vld [tilespmem:s1+$0x50]  }
0x235: {  	v6 =	vld [tilespmem:s1+$0xFFFFFF10]  }
0x236: {  	v8 =	vld [tilespmem:s1+$0x90]  }
0x237: {  	v9 =	vld [tilespmem:s10+$0xFFFFFF10]  }
0x238: {  	v10 =	vld [tilespmem:s10+$0xFFFFFF50];
	v2 =	vadd.f32 v3, v2  }
0x239: {  	v3 =	vld [tilespmem:s10+$0xFFFFFF90]  }
0x23a: {  	v11 =	vld [tilespmem:s10+$0xFFFFFFD0];
	[tilespmem:s10+$0xF0] =	vst v2  }
0x23b: {  	v2 =	vld [tilespmem:s10+$0x10]  }
0x23c: {  	v6 =	vadd.f32 v6, v9;
	v9 =	vld [tilespmem:s10+$0x50]  }
0x23d: {  	v1 =	vadd.f32 v1, v10;
	v10 =	vld [tilespmem:s10+$0x90]  }
0x23e: {  	[tilespmem:s10+$0xFFFFFF10] =	vst v6;
	v6 =	vld [tilespmem:s10+$0xFFFFFF20];
	v3 =	vadd.f32 v7, v3  }
0x23f: {  	v7 =	vld [tilespmem:s1+$0xFFFFFF20];
	[tilespmem:s10+$0xFFFFFF50] =	vst v1;
	v0 =	vadd.f32 v0, v11  }
0x240: {  	v1 =	vld [tilespmem:s1+$0xFFFFFF60];
	[tilespmem:s10+$0xFFFFFF90] =	vst v3;
	v2 =	vadd.f32 v4, v2  }
0x241: {  	v3 =	vld [tilespmem:s1+$0xFFFFFFA0];
	[tilespmem:s10+$0xFFFFFFD0] =	vst v0;
	v0 =	vadd.f32 v5, v9  }
0x242: {  	v4 =	vld [tilespmem:s1+$0xFFFFFFE0];
	[tilespmem:s10+$0x10] =	vst v2;
	v2 =	vadd.f32 v8, v10  }
0x243: {  	v5 =	vld [tilespmem:s1+$0x20];
	[tilespmem:s10+$0x50] =	vst v0  }
0x244: {  	v0 =	vadd.f32 v7, v6;
	v6 =	vld [tilespmem:s1+$0x60];
	[tilespmem:s10+$0x90] =	vst v2  }
0x245: {  	v2 =	vld [tilespmem:s1+$0xA0]  }
0x246: {  	[tilespmem:s10+$0xFFFFFF20] =	vst v0;
	v0 =	vld [tilespmem:s10+$0xFFFFFF60]  }
0x247: {  	v7 =	vld [tilespmem:s10+$0xFFFFFFA0]  }
0x248: {  	v8 =	vld [tilespmem:s10+$0xFFFFFFE0]  }
0x249: {  	v9 =	vld [tilespmem:s10+$0x20]  }
0x24a: {  	v10 =	vld [tilespmem:s10+$0x60]  }
0x24b: {  	v0 =	vadd.f32 v1, v0;
	v11 =	vld [tilespmem:s10+$0xA0]  }
0x24c: {  	v12 =	vld [tilespmem:s1+$0xFFFFFF30];
	v1 =	vadd.f32 v3, v7  }
0x24d: {  	v3 =	vld [tilespmem:s10+$0xFFFFFF30];
	[tilespmem:s10+$0xFFFFFF60] =	vst v0;
	v0 =	vadd.f32 v4, v8  }
0x24e: {  	v13 =	vld [tilespmem:s1+$0xFFFFFF70];
	[tilespmem:s10+$0xFFFFFFA0] =	vst v1;
	v5 =	vadd.f32 v5, v9  }
0x24f: {  	v4 =	vld [tilespmem:s1+$0xFFFFFFB0];
	[tilespmem:s10+$0xFFFFFFE0] =	vst v0;
	v0 =	vadd.f32 v6, v10  }
0x250: {  	v1 =	vld [tilespmem:s1+$0xFFFFFFF0];
	[tilespmem:s10+$0x20] =	vst v5;
	v5 =	vadd.f32 v2, v11  }
0x251: {  	v2 =	vld [tilespmem:s1+$0x30];
	[tilespmem:s10+$0x60] =	vst v0  }
0x252: {  	v6 =	vadd.f32 v12, v3;
	v3 =	vld [tilespmem:s1+$0x70];
	[tilespmem:s10+$0xA0] =	vst v5  }
0x253: {  	v0 =	vld [tilespmem:s1+$0xB0]  }
0x254: {  	[tilespmem:s10+$0xFFFFFF30] =	vst v6;
	v6 =	vld [tilespmem:s10+$0xFFFFFF70]  }
.Ltmp5:
0x255: {  	v9 =	vld [tilespmem:s10+$0xFFFFFFB0];
	(pc) =	sbr.rel @p1 .LBB2_9-.Ltmp5, $4  }
0x256: {  	v8 =	vld [tilespmem:s10+$0xFFFFFFF0]  }
0x257: {  	v7 =	vld [tilespmem:s10+$0x30]  }
0x258: {  	v5 =	vld [tilespmem:s10+$0x70]  }
0x259: {  	s10 =	sadd.s32 $0x200, s10;
	v10 =	vadd.f32 v13, v6;
	v6 =	vld [tilespmem:s29+$0xB0]  }
0x25a: {  	v4 =	vadd.f32 v4, v9  }
0x25b: {  	[tilespmem:s29+$0xFFFFFF70] =	vst v10;
	v1 =	vadd.f32 v1, v8  }
0x25c: {  	[tilespmem:s29+$0xFFFFFFB0] =	vst v4;
	v2 =	vadd.f32 v2, v7  }
.Ltmp6:
0x25d: {  	s0 =	sadd.s32 s4, s28;
	[tilespmem:s29+$0xFFFFFFF0] =	vst v1;
	v63 =	vadd.f32 v3, v5;
	(pc) =	sbr.rel @p0 .LBB2_12-.Ltmp6, $4  }
0x25e: {  	s0 =	smul.u32 $0x640, s0;
	[tilespmem:s29+$0x30] =	vst v2;
	v0 =	vadd.f32 v0, v6  }
0x25f: {  	[tilespmem:s29+$0x70] =	vst v63  }
0x260: {  	s0 =	sadd.s32 s2, s0;
	[tilespmem:s29+$0xB0] =	vst v0  }
0x261: {  	[hbm4b:s0+s3] =	stream.linear.scatter [tilespmem:s17], [sflag:$0x8], $0x3200, $0x38;
	[tilespmem:$0x15E00] =	vst v63  }
0x262: {  	s0 =	smul.u32 $0xC80, s26  }
.Ltmp7:
0x263: {  	_ = 	snop;
	(pc) =	sbr.rel .LBB2_2-.Ltmp7, $4  }
0x264: {  	_ =	swait.ge [sflag:s23], $0x3200  }
0x265: {  	[sflag:s23] =	ssyncset.done $0x0;
	s0 =	sshra.s32 s0, $0x2  }
0x266: {  	s26 =	sadd.s32 $0x1, s26;
	[sflag:s23] =	ssyncadd.s32 $0xFFFFCE00;
	s0 =	sadd.s32 $0x4B0, s0  }
0x267: {  	[tilespmem:s15], [sflag:$0x3] =	stream.indirect.gather [hbm4b:s5+s11], $0x40, s0, s11, $0xb8;
	[tilespmem:$0x15E00] =	vst v63  }
.LBB2_13:
0x268: {  	_ =	sfence.sel $0x180000  }
0x269: {  	[bflag:$0x0] =	sbarrier.arrive $0xFFFF  }
0x26a: {  	_ =	strace $0x90000047  }
0x26b: {  	s0 =	stileid.u32;
	[bflag:$0x2] =	sbarrier.arrive $0xFFFF  }
0x26c: {  	p0 =	sne.s32 s0, $0x0;
	s0 =	rddreg [dreg:$0x2]  }
0x26d: {  	s0 =	sadd.s32 @!p0 $0x100000, s0  }
0x26e: {  	[sflag:s0] =	ssyncadd.tile.s32 @!p0 $0x1;
	_ =	shalt  }
.Lfunc_end2:
_tile_overlayer_lowered:
.L_overlay_start_2:
0x26f: {  	(tag) =	ssettag $0x2  }
0x270: {  	s0 =	rddreg [dreg:$0x0];
	s2 =	stileid.u32  }
0x271: {  	s1 =	rddreg [dreg:$0x1];
	p0 =	sne.s32 s2, $0x0  }
0x272: {  	s3 =	rddreg [dreg:$0x2];
	[bflag:$0x3] =	sbarrier.arrive $0xFFFF;
	s2 =	simm.s32 @!p0 $0x1C09  }
0x273: {  	[timem:s3], [sflag:s2] =	dma.local @!p0 [hbm:s0], s1  }
0x274: {  	s0 =	simm.s32 @!p0 $0x9  }
0x275: {  	_ =	swait.ge @!p0 [sflag:s0], s1  }
0x276: {  	s1 =	ssub.s32 @!p0 $0x0, s1;
	[sflag:s0] =	ssyncset.done @!p0 $0x0  }
0x277: {  	[sflag:s0] =	ssyncadd.s32 @!p0 s1  }
0x278: {  	[bflag:$0x3] =	sbarrier.arrive $0xFFFF  }
0x279: {  	_ =	shalt  }

// kernel: sparse-core-data-format-call.cloned.1.call-start
scs
called_computation_lowered:
.L_overlay_start_0:
0x0: {  	s2 =	sld [smem:$0x3FD9]  }
0x1: {  	s3 =	sld [smem:$0x3FFE];
	_ =	sdelay $0x1  }
0x2: {  	s1 =	srdreg.scid  }
0x3: {  	s0 =	sand.u32 $0x1, s1  }
0x4: {  	s18 =	sshll.u32 s0, $0xA;
	s2 =	sadd.s32 s3, s2  }
0x5: {  	s2 =	sadd.s32 s2, s18  }
0x6: {  	[smem:$0x3FC5] =	sst s2  }
0x7: {  	_ = 	snop  }
0x8: {  	s2 =	sld [smem:$0x3FD0];
	(tm) =	ssettm $0x1  }
0x9: {  	s19 =	sld [smem:$0x3FFB];
	_ =	sdelay $0x3  }
0xa: {  	_ =	strace s19  }
0xb: {  	s3 =	sld [smem:$0x3FFC];
	_ =	sdelay $0x3  }
0xc: {  	_ =	strace s3  }
0xd: {  	s3 =	sld [smem:$0x3FFD];
	_ =	sdelay $0x3  }
0xe: {  	_ =	strace s3  }
0xf: {  	_ =	strace $0x8FFFFFFF  }
0x10: {  	s20 =	sld [smem:$0x3FDB];
	_ =	sdelay $0x1  }
0x11: {  	s4 =	simm.s32 $_scs_section_size  }
0x12: {  	s5 =	simm.s32 $_size__tile_overlayer_lowered;
	s6 =	simm.s32 $_tile_overlayer_lowered  }
0x13: {  	s23 =	simm.s32 $0x1BFF;
	s22 =	sshll.u32 s6, $0x1;
	s3 =	sadd.s32 s4, s20  }
0x14: {  	s7 =	simm.s32 $0x0;
	s21 =	sshll.u32 s5, $0x1;
	s5 =	sadd.s32 s22, s3  }
0x15: {  	[timem:s7], [sflag:s23] =	dma.local [hbm:s5], s21  }
0x16: {  	_ =	swait.ge [sflag:s23], s21  }
0x17: {  	s4 =	ssub.s32 $0x0, s21;
	[sflag:s23] =	ssyncset.done $0x0  }
0x18: {  	[sflag:s23] =	ssyncadd.s32 s4;
	_ =	sdelay $0x1  }
0x19: {  	s24 =	simm.s32 $0x1B8B  }
0x1a: {  	_ =	swait.ge [sflag:s24], $0x1  }
0x1b: {  	[sflag:s24] =	ssyncset.done $0x0  }
0x1c: {  	s26 =	simm.s32 $0x1B8E;
	s25 =	sld [smem:$0x3FFE];
	[sflag:s24] =	ssyncadd.s32 $0xFFFFFFFF  }
0x1d: {  	s27 =	simm.s32 $execute0_lowered;
	[smem:$0x3FD2] =	sst s26  }
0x1e: {  	s5 =	sshll.u32 s27, $0x1;
	_ =	strace $0x80000049;
	[dreg:$0x1] =	wrdreg $0xFFFFFFFF  }
0x1f: {  	s28 =	simm.s32 $_size_execute0_lowered;
	s3 =	sadd.s32 s3, s5;
	[dreg:$0x0] =	wrdreg $0x0  }
0x20: {  	s5 =	sshll.u32 s28, $0x1;
	[dreg:$0x2] =	wrdreg s3  }
0x21: {  	[dreg:$0x3] =	wrdreg s5  }
0x22: {  	[dreg:$0x4] =	wrdreg $0xC0  }
0x23: {  	_ =	task [dreg:s7], $0x5FFFF  }
0x24: {  	[dreg:$0x1] =	wrdreg $0xFFFFFFFF  }
0x25: {  	[dreg:$0x0] =	wrdreg $0x60  }
0x26: {  	[dreg:$0x2] =	wrdreg s25  }
0x27: {  	[dreg:$0x3] =	wrdreg s2  }
0x28: {  	[dreg:$0x4] =	wrdreg $0x9  }
0x29: {  	_ =	task.clear_ibuf [dreg:s7], $0x5FFFF;
	_ =	strace $0x90000049  }
0x2a: {  	s29 =	simm.s32 $0x9;
	_ =	strace $0x8000004B  }
0x2b: {  	_ =	swait.ge [sflag:s29], $0x1  }
0x2c: {  	[sflag:s29] =	ssyncadd.s32 $0xFFFFFFFF  }
0x2d: {  	_ =	strace $0x9000004B  }
0x2e: {  	_ =	sfence  }
0x2f: {  	s30 =	sld [smem:$0x0];
	_ =	sdelay $0x2  }
0x30: {  	s31 =	sshll.u32 s1, $0xD;
	s1 =	sshrl.u32 s1, $0x2  }
0x31: {  	s3 =	sand.u32 $0x4000, s31;
	s1 =	sadd.s32 s1, s30  }
0x32: {  	s0 =	sor.u32 s3, s0;
	s1 =	sshll.u32 s1, $0x11  }
0x33: {  	s0 =	sor.u32 s1, s0  }
0x34: {  	s0 =	sadd.s32 $0x8F2B, s0  }
0x35: {  	[sflag:s0] =	ssyncadd.remote.s32 $0x1  }
0x36: {  	_ =	sfence.sel $0xFFFF  }
0x37: {  	[dreg:$0x0] =	wrdreg $0xFFFFFFFF;
	(pc) =	sbr.abs _section_cstart, $3  }
0x38: {  	[dreg:$0x1] =	wrdreg $0xFFFFFFFF  }
0x39: {  	_ =	task.clear_ibuf [dreg:s7], $0x2FFFF;
	_ =	strace $0x9FFFFFFF  }
0x3a: {  	(tm) =	ssettm $0x7FFFFFFF  }
0x3b: {  	_ =	shalt  }
tec
execute0_lowered:
.L_overlay_start_1:
0x0: {  	(tag) =	ssettag $0x1  }
0x1: {  	s0 =	srdreg.scid  }
0x2: {  	s1 =	sshll.u32 s0, $0x4  }
0x3: {  	s0 =	stileid.u32;
	s1 =	sand.u32 $0x10, s1  }
0x4: {  	s1 =	sor.u32 s0, s1  }
0x5: {  	s6 =	rddreg [dreg:$0x0];
	s4 =	simm.s32 $0x1;
	s2 =	sshll.u32 s1, $0x7  }
0x6: {  	s7 =	simm.s32 $0x2;
	s12 =	simm.s32 $0x0;
	s1 =	ssub.s32 $0x1000, s2  }
0x7: {  	s8 =	simm.s32 $0x8000;
	s13 =	simm.s32 $0x0;
	s3 =	sand.u32 $0xF80, s1  }
0x8: {  	s9 =	simm.s32 $0x0;
	s5 =	sshrl.u32 s1, $0xC;
	p0 =	sne.s32 s3, $0x0  }
.Ltmp0:
0x9: {  	s1 =	rddreg [dreg:$0x2];
	s4 =	simm.s32 @!p0 $0x0;
	(pc) =	sbr.rel .LBB1_1-.Ltmp0, $4  }
0xa: {  	s11 =	simm.s32 $0x0;
	s3 =	rddreg [dreg:$0x1];
	s5 =	sadd.s32 s4, s5  }
0xb: {  	_ =	strace $0x8000004A;
	s4 =	simm.s32 $0x1;
	s5 =	smul.u32 $0xC8, s5  }
0xc: {  	s6 =	sadd.s32 $0xC00, s6;
	s10 =	smov.u32 s2;
	[sflag:s4] =	ssyncpa.u1 $0x0  }
0xd: {  	p0 =	por $0x0, $0x0;
	[sflag:s7] =	ssyncpa.u1 $0x0;
	s7 =	sor.u32 $0x1, s5  }
.LBB1_4:
0xe: {  	s16 =	sshll.u32 s13, $0x3;
	s17 =	sand.u32 $0x78, s13  }
0xf: {  	s30 =	sand.u32 $0x7E00, s13;
	s12 =	sshll.u32 s12, $0xF;
	s16 =	sand.u32 $0xC00, s16  }
0x10: {  	[tilespmem:s15+$0x810 ss:$0x81] =	vst.msk $0xffff, v2;
	s31 =	sand.u32 $0x7, s13;
	s16 =	sor.u32 s17, s16;
	s17 =	sadd.s32 s3, s30  }
0x11: {  	[tilespmem:s15+$0x1020 ss:$0x81] =	vst.msk $0xffff, v0;
	s13 =	sshll.u32 s31, $0x12;
	s12 =	sadd.s32 s12, s17;
	s16 =	sshrl.u32 s16, $0x3  }
0x12: {  	[tilespmem:s15+$0x0 ss:$0x81] =	vst.msk $0xffff, v1;
	s13 =	sor.u32 $0x400, s13;
	s12 =	sadd.s32 s16, s12  }
0x13: {  	[hbm4b:s12+s13] =	stream.strided.scatter [tilespmem:s14], [sflag:$0x2], $0x2000, s8, s13, $0x20;
	[tilespmem:$0x8080] =	vst v63  }
.LBB1_5:
0x14: {  	s14 =	sadd.s32 $0x1, s9  }
0x15: {  	s12 =	sadd.s32 $0x1000, s10;
	s16 =	smov.u32 s10;
	p2 =	sgt.s32 s14, $0xC7  }
0x16: {  	s16 =	smov.u32 @p2 s12  }
0x17: {  	s14 =	simm.s32 @p2 $0x0;
	p2 =	sgt.s32 s16, $0xFFF  }
0x18: {  	s16 =	smov.u32 @p2 s2;
	p2 =	sne.s32 s11, s7  }
.Ltmp1:
0x19: {  	p1 =	slt.u32 s11, $0x2;
	(pc) =	sbr.rel @!p2 .LBB1_6-.Ltmp1, $4  }
0x1a: {  	s15 =	simm.s32 @!p1 $0x2  }
0x1b: {  	s13 =	smov.u32 s10;
	p0 =	por !p0, !p0;
	_ =	swait.ge @!p1 [sflag:s15], $0x2000  }
0x1c: {  	s12 =	smov.u32 s9;
	[sflag:s15] =	ssyncset.done @!p1 $0x0;
	s9 =	smov.u32 s14  }
0x1d: {  	s11 =	sadd.s32 $0x1, s11;
	[sflag:s15] =	ssyncadd.s32 @!p1 $0xFFFFE000;
	s10 =	smov.u32 s16  }
.LBB1_1:
0x1e: {  	p1 =	sge.u32 s11, s5  }
0x1f: {  	s14 =	sand.u32 @!p1 $0x1FFFFFF, s9  }
0x20: {  	s15 =	smulhi.u32 @!p1 $0x147AE15, s14;
	_ =	sdelay $0x1  }
0x21: {  	s15 =	smul.u32 @!p1 $0xC8, s15  }
0x22: {  	s16 =	sxor.u32 @!p1 $0xFFFFFFFF, s11;
	s17 =	smul.u32 @!p1 $0xC80, s10  }
0x23: {  	s31 =	sadd.s32 $0xFFFFFFFF, s11;
	s16 =	sshll.u32 @!p1 s16, $0xD;
	s14 =	ssub.s32 @!p1 s14, s15  }
0x24: {  	s15 =	sand.u32 @!p1 $0x2000, s16;
	s16 =	sadd.s32 @!p1 s6, s17;
	s14 =	sshll.u32 @!p1 s14, $0x4  }
0x25: {  	s17 =	simm.s32 @!p1 $0x6400;
	s14 =	sadd.s32 @!p1 s14, s16;
	s16 =	simm.s32 @!p1 $0x40  }
0x26: {  	[tilespmem:s15], [sflag:$0x1] =	stream.strided.gather @!p1 [hbm4b:s14+s16], $0x2000, s17, s16, $0x38;
	[tilespmem:$0x8080] =	vst v63  }
0x27: {  	p1 =	sge.u32 s31, s5  }
.Ltmp2:
0x28: {  	_ = 	snop;
	(pc) =	sbr.rel @p1 .LBB1_5-.Ltmp2, $1  }
0x29: {  	_ =	sdelay $0x3  }
0x2a: {  	s14 =	simm.s32 $0x1  }
0x2b: {  	_ =	swait.ge [sflag:s4], $0x2000;
	s14 =	simm.s32 @!p0 $0x0  }
0x2c: {  	[sflag:s4] =	ssyncset.done $0x0;
	s15 =	sshll.u32 s14, $0xD  }
0x2d: {  	[sflag:s4] =	ssyncadd.s32 $0xFFFFE000;
	s18 =	sor.u32 $0x20, s15  }
0x2e: {  	s14 =	smul.u32 $0x8100, s14;
	v3 =	vld [tilespmem:s18+$0x10]  }
0x2f: {  	s30 =	sand.u32 $0x1, s11;
	v2 =	vld [tilespmem:s18+$0xFFFFFFF0]  }
0x30: {  	s15 =	smul.u32 $0x8100, s30;
	s14 =	sshrl.u32 s14, $0x2;
	v0 =	vld [tilespmem:s18+$0x0]  }
0x31: {  	v1 =	vld [tilespmem:s18+$0xFFFFFFE0];
	s16 =	sor.u32 $0x4000, s14  }
0x32: {  	s31 =	sshrl.u32 s15, $0x2;
	s15 =	sadd.s32 $0x0, s16  }
0x33: {  	s17 =	simm.s32 $0x4;
	s18 =	sadd.s32 $0x40, s18;
	s14 =	sor.u32 $0x4000, s31;
	[tilespmem:s15+$0x1830 ss:$0x81] =	vst.msk $0xffff, v3  }
.LBB1_3:
0x34: {  	v3 =	vld [tilespmem:s18+$0x10];
	p1 =	sne.s32 s17, $0x1FC;
	[tilespmem:s15+$0x810 ss:$0x81] =	vst.msk $0xffff, v2;
	s19 =	smov.u32 s17;
	s17 =	sadd.s32 $0x4, s17  }
.Ltmp3:
0x35: {  	v2 =	vld [tilespmem:s18+$0xFFFFFFF0];
	[tilespmem:s15+$0x1020 ss:$0x81] =	vst.msk $0xffff, v0;
	(pc) =	sbr.rel @p1 .LBB1_3-.Ltmp3, $4  }
0x36: {  	v0 =	vld [tilespmem:s18+$0x0];
	[tilespmem:s15+$0x0 ss:$0x81] =	vst.msk $0xffff, v1  }
0x37: {  	s15 =	sshra.s32 s19, $0x2;
	v1 =	vld [tilespmem:s18+$0xFFFFFFE0]  }
0x38: {  	s15 =	sadd.s32 s15, s16  }
0x39: {  	s18 =	sadd.s32 $0x40, s18;
	[tilespmem:s15+$0x1830 ss:$0x81] =	vst.msk $0xffff, v3  }
.Ltmp4:
0x3a: {  	_ = 	snop;
	(pc) =	sbr.rel .LBB1_4-.Ltmp4, $1  }
0x3b: {  	_ =	sdelay $0x3  }
.LBB1_6:
0x3c: {  	_ =	sfence.sel $0x180000  }
0x3d: {  	s2 =	simm.s32 $0x1;
	[bflag:$0x0] =	sbarrier.arrive $0xFFFF  }
0x3e: {  	s31 =	simm.s32 $0x2;
	[sflag:s2] =	ssyncpa.u1 $0x1  }
0x3f: {  	[sflag:s31] =	ssyncpa.u1 $0x1  }
0x40: {  	p0 =	sne.s32 s0, $0x0;
	_ =	strace $0x9000004A  }
0x41: {  	s0 =	sadd.s32 @!p0 $0x100000, s1;
	[bflag:$0x2] =	sbarrier.arrive $0xFFFF  }
0x42: {  	[sflag:s0] =	ssyncadd.tile.s32 @!p0 $0x1;
	_ =	shalt  }
.Lfunc_end1:
_tile_overlayer_lowered:
.L_overlay_start_2:
0x43: {  	(tag) =	ssettag $0x2  }
0x44: {  	s0 =	rddreg [dreg:$0x0];
	s2 =	stileid.u32  }
0x45: {  	s1 =	rddreg [dreg:$0x1];
	p0 =	sne.s32 s2, $0x0  }
0x46: {  	s3 =	rddreg [dreg:$0x2];
	[bflag:$0x3] =	sbarrier.arrive $0xFFFF;
	s2 =	simm.s32 @!p0 $0x1C01  }
0x47: {  	[timem:s3], [sflag:s2] =	dma.local @!p0 [hbm:s0], s1  }
0x48: {  	s0 =	simm.s32 @!p0 $0x1  }
0x49: {  	_ =	swait.ge @!p0 [sflag:s0], s1  }
0x4a: {  	s1 =	ssub.s32 @!p0 $0x0, s1;
	[sflag:s0] =	ssyncset.done @!p0 $0x0  }
0x4b: {  	[sflag:s0] =	ssyncadd.s32 @!p0 s1  }
0x4c: {  	[bflag:$0x3] =	sbarrier.arrive $0xFFFF  }
0x4d: {  	_ =	shalt  }

</sc_bundles>
